<compile_context>
chip_gen: v7x
topology: tpu7x:2x2x1
jax: 0.10.2.dev20260603
libtpu: 0.0.44.dev20260713+nightly
codegen_flags: <defaults>
</compile_context>

<pallas_src>
import functools

import jax
import jax.numpy as jnp
from jax import lax
from jax.experimental import pallas as pl
from jax.experimental.pallas import tpu as pltpu
from jax.experimental.pallas import tpu_sc as plsc

VOCAB_DIM = 1000000
EMB = 64
SEQ = 200

_info = plsc.get_sparse_core_info()
_NC, _NS = _info.num_cores, _info.num_subcores
_ROWS_PER_W = 8
_N_ACTIVE = SEQ // _ROWS_PER_W
_LANES = 128


@functools.partial(
    pl.kernel,
    mesh=plsc.VectorSubcoreMesh(core_axis_name="c", subcore_axis_name="s"),
    out_type=jax.ShapeDtypeStruct((SEQ, EMB), jnp.float32),
    scratch_types=[
        pltpu.VMEM((16,), jnp.int32),
        pltpu.VMEM((_ROWS_PER_W, EMB, _LANES), jnp.float32),
        pltpu.VMEM((_ROWS_PER_W, EMB), jnp.float32),
        [pltpu.SemaphoreType.DMA] * _ROWS_PER_W,
    ],
    compiler_params=pltpu.CompilerParams(
        use_tc_tiling_on_sc=True, needs_layout_passes=False
    ),
)
def _sc_gather(table_hbm, idx_hbm, out_hbm, idx_v, tiles_v, rows_v, sems):
    wid = lax.axis_index("s") * _NC + lax.axis_index("c")

    @pl.when(wid < _N_ACTIVE)
    def _():
        base = wid * _ROWS_PER_W
        pltpu.sync_copy(
            idx_hbm.at[pl.ds(base, _ROWS_PER_W)], idx_v.at[pl.ds(0, _ROWS_PER_W)]
        )
        idx_vec = idx_v[...]
        copies = []
        for j in range(_ROWS_PER_W):
            tile_base = pl.multiple_of((idx_vec[j] // _LANES) * _LANES, _LANES)
            copies.append(
                pltpu.async_copy(
                    table_hbm.at[:, pl.ds(tile_base, _LANES)],
                    tiles_v.at[j],
                    sems[j],
                )
            )
        lane_ids = jax.lax.iota(jnp.int32, 16)
        for j in range(_ROWS_PER_W):
            copies[j].wait()
            lane = idx_vec[j] % _LANES
            lane_vec = jnp.full((16,), lane, jnp.int32)
            for c in range(EMB // 16):
                g = plsc.load_gather(
                    tiles_v.at[j], [lane_ids + c * 16, lane_vec]
                )
                rows_v[j, pl.ds(c * 16, 16)] = g
        pltpu.sync_copy(rows_v, out_hbm.at[pl.ds(base, _ROWS_PER_W)])


@jax.jit
def kernel(x, emb_mat):
    idx = x.reshape(-1).astype(jnp.int32)
    out = _sc_gather(emb_mat.T, idx)
    return out.reshape(1, SEQ, EMB)

# --- scband reference (transcript-rebuilt; emitter-appended) ---
"""Pipeline reference for scband-embedding-5789615915696 (READ-ONLY COPY).

The authoritative reference and input builder live on the scoring server;
editing this copy changes nothing except your own understanding.
"""

import jax, jax.numpy as jnp
import numpy as np

VOCAB = 1000000
EMB_DIM = 64
SEQ_LEN = 200

def setup_inputs(seed: int = 0) -> dict:
    key = jax.random.key(seed)
    k1, k2 = jax.random.split(key)
    x = jax.random.randint(k1, (1, SEQ_LEN), 0, VOCAB).astype(jnp.int64)
    emb_mat = jax.random.normal(k2, (VOCAB, EMB_DIM), dtype=jnp.float32)
    return {"x": x, "emb_mat": emb_mat}

def reference(x, emb_mat):
    # Faithful translation: the torch module loops over x[0] gathering rows of
    # emb_mat, stacks them, and views as [1, seq_len, -1]. That is exactly a
    # row-gather on the first batch element.
    seq_len = x.shape[1]
    v = jnp.take(emb_mat, x[0], axis=0)  # [seq_len, emb_dim]
    v = v.reshape(1, seq_len, -1)
    return v

if __name__ == "__main__":
    import jax
    _d = setup_inputs()
    print(jax.jit(kernel)(*tuple(_d.values())))

</pallas_src>

<mosaic_0001>
#map = affine_map<(d0, d1) -> (0, 0)>
#map1 = affine_map<(d0, d1) -> (0)>
module attributes {stable_mosaic.version = 14 : i64} {
  func.func @_sc_gather(%arg0: i32, %arg1: i32, %arg2: memref<64x1000000xf32, #tpu.memory_space<hbm>>, %arg3: memref<200xi32, #tpu.memory_space<hbm>>, %arg4: memref<200x64xf32, #tpu.memory_space<hbm>>, %arg5: memref<16xi32, #tpu.memory_space<vmem>>, %arg6: memref<8x64x128xf32, #tpu.memory_space<vmem>>, %arg7: memref<8x64xf32, #tpu.memory_space<vmem>>, %arg8: memref<!tpu.dma_semaphore, #tpu.memory_space<semaphore_mem>>, %arg9: memref<!tpu.dma_semaphore, #tpu.memory_space<semaphore_mem>>, %arg10: memref<!tpu.dma_semaphore, #tpu.memory_space<semaphore_mem>>, %arg11: memref<!tpu.dma_semaphore, #tpu.memory_space<semaphore_mem>>, %arg12: memref<!tpu.dma_semaphore, #tpu.memory_space<semaphore_mem>>, %arg13: memref<!tpu.dma_semaphore, #tpu.memory_space<semaphore_mem>>, %arg14: memref<!tpu.dma_semaphore, #tpu.memory_space<semaphore_mem>>, %arg15: memref<!tpu.dma_semaphore, #tpu.memory_space<semaphore_mem>>) attributes {dimension_semantics = [#tpu.dimension_semantics<core_parallel>, #tpu.dimension_semantics<subcore_parallel>], iteration_bounds = array<i64: 2, 16>, scalar_prefetch = 0 : i64, scratch_operands = 11 : i64, tpu.core_type = #tpu.core_type<sc_vector_subcore>, window_params = [{transform_indices = #map}, {transform_indices = #map1}, {transform_indices = #map}]} {
    %mul3A = arith.constant 2 : i32
    %mul3A_0 = arith.muli %arg1, %mul3A : i32
    %add3A = arith.addi %mul3A_0, %arg0 : i32
    %lt3A = arith.constant 25 : i32
    %lt3A_1 = arith.cmpi slt, %add3A, %lt3A : i32
    %convert_element_type3A = arith.extui %lt3A_1 : i1 to i32
    %cond3A = arith.constant 0 : i32
    %cond3A_2 = arith.cmpi ne, %convert_element_type3A, %cond3A : i32
    scf.if %cond3A_2 {
      %mul3A_3 = arith.constant 8 : i32
      %mul3A_4 = arith.muli %add3A, %mul3A_3 : i32
      "tpu.region"() ({
        %run_scoped3A = tpu.sem_alloc : memref<!tpu.dma_semaphore, #tpu.memory_space<semaphore_mem>>
        %dma_start3A_997 = arith.constant 0 : i32
        %dma_start3A_998 = tpu.memref_slice %arg5[%dma_start3A_997] : memref<16xi32, #tpu.memory_space<vmem>> -> memref<8xi32, #tpu.memory_space<vmem>>
        %dma_start3A_999 = tpu.memref_slice %arg3[%mul3A_4] : memref<200xi32, #tpu.memory_space<hbm>> -> memref<8xi32, #tpu.memory_space<hbm>>
        %dma_start3A_1000 = arith.constant 0 : i32
        %dma_start3A_1001 = tpu.memref_slice %arg5[%dma_start3A_1000] : memref<16xi32, #tpu.memory_space<vmem>> -> memref<8xi32, #tpu.memory_space<vmem>>
        %dma_start3A_1002 = tpu.memref_slice %arg3[%mul3A_4] : memref<200xi32, #tpu.memory_space<hbm>> -> memref<8xi32, #tpu.memory_space<hbm>>
        tpu.enqueue_dma source(%dma_start3A_1002 : memref<8xi32, #tpu.memory_space<hbm>>) target(%dma_start3A_1001 : memref<8xi32, #tpu.memory_space<vmem>>) target_semaphore(%run_scoped3A : memref<!tpu.dma_semaphore, #tpu.memory_space<semaphore_mem>>)
        %dma_wait3A_1003 = arith.constant 0 : i32
        %dma_wait3A_1004 = tpu.memref_slice %arg5[%dma_wait3A_1003] : memref<16xi32, #tpu.memory_space<vmem>> -> memref<8xi32, #tpu.memory_space<vmem>>
        %dma_wait3A_1005 = tpu.memref_slice %arg3[%mul3A_4] : memref<200xi32, #tpu.memory_space<hbm>> -> memref<8xi32, #tpu.memory_space<hbm>>
        %dma_wait3A_1006 = arith.constant 0 : i32
        %dma_wait3A_1007 = tpu.memref_slice %arg5[%dma_wait3A_1006] : memref<16xi32, #tpu.memory_space<vmem>> -> memref<8xi32, #tpu.memory_space<vmem>>
        %dma_wait3A_1008 = tpu.memref_slice %arg3[%mul3A_4] : memref<200xi32, #tpu.memory_space<hbm>> -> memref<8xi32, #tpu.memory_space<hbm>>
        tpu.wait_dma2 semaphore(%run_scoped3A : memref<!tpu.dma_semaphore, #tpu.memory_space<semaphore_mem>>) src(%dma_wait3A_1008 : memref<8xi32, #tpu.memory_space<hbm>>) dst(%dma_wait3A_1007 : memref<8xi32, #tpu.memory_space<vmem>>)
        tpu.yield
      }) : () -> ()
      %get3A = arith.constant 0 : index
      %get3A_5 = tpu.vector_load %arg5[%get3A] {strides = array<i32>} : memref<16xi32, #tpu.memory_space<vmem>>, vector<16xi32>,
      %slice3A = vector.extract_strided_slice %get3A_5 {offsets = [0], sizes = [1], strides = [1]} : vector<16xi32> to vector<1xi32>
      %squeeze3A = vector.extract %slice3A[0] : i32 from vector<1xi32>
      %jit3A = arith.constant 128 : i32
      %div3A = arith.divsi %squeeze3A, %jit3A : i32
      %sign3A = arith.constant 0 : i32
      %sign3A_6 = arith.cmpi sgt, %squeeze3A, %sign3A : i32
      %sign3A_7 = arith.extui %sign3A_6 : i1 to i32
      %sign3A_8 = arith.constant 0 : i32
      %sign3A_9 = arith.cmpi slt, %squeeze3A, %sign3A_8 : i32
      %sign3A_10 = arith.extui %sign3A_9 : i1 to i32
      %sign3A_11 = arith.subi %sign3A_7, %sign3A_10 : i32
      %sign3A_12 = arith.constant 0 : i32
      %sign3A_13 = arith.cmpi sgt, %jit3A, %sign3A_12 : i32
      %sign3A_14 = arith.extui %sign3A_13 : i1 to i32
      %sign3A_15 = arith.constant 0 : i32
      %sign3A_16 = arith.cmpi slt, %jit3A, %sign3A_15 : i32
      %sign3A_17 = arith.extui %sign3A_16 : i1 to i32
      %sign3A_18 = arith.subi %sign3A_14, %sign3A_17 : i32
      %ne3A = arith.cmpi ne, %sign3A_11, %sign3A_18 : i32
      %rem3A = arith.remsi %squeeze3A, %jit3A : i32
      %ne3A_19 = arith.constant 0 : i32
      %ne3A_20 = arith.cmpi ne, %rem3A, %ne3A_19 : i32
      %and3A = arith.andi %ne3A, %ne3A_20 : i1
      %sub3A = arith.constant 1 : i32
      %sub3A_21 = arith.subi %div3A, %sub3A : i32
      %select_n3A = arith.select %and3A, %sub3A_21, %div3A : i32
      %mul3A_22 = arith.constant 128 : i32
      %mul3A_23 = arith.muli %select_n3A, %mul3A_22 : i32
      %multiple_of3A = tpu.assume_multiple %mul3A_23, 128 : i32
      %dma_start3A = arith.constant 0 : i32
      %dma_start3A_24 = arith.constant 0 : i32
      %dma_start3A_25 = arith.constant 0 : i32
      %dma_start3A_26 = tpu.memref_slice %arg6[%dma_start3A, %dma_start3A_24, %dma_start3A_25] : memref<8x64x128xf32, #tpu.memory_space<vmem>> -> memref<1x64x128xf32, #tpu.memory_space<vmem>>
      %dma_start3A_27 = tpu.memref_squeeze %dma_start3A_26 : memref<1x64x128xf32, #tpu.memory_space<vmem>> -> memref<64x128xf32, #tpu.memory_space<vmem>>
      %dma_start3A_28 = arith.constant 0 : i32
      %dma_start3A_29 = tpu.memref_slice %arg2[%dma_start3A_28, %multiple_of3A] : memref<64x1000000xf32, #tpu.memory_space<hbm>> -> memref<64x128xf32, #tpu.memory_space<hbm>>
      %dma_start3A_30 = arith.constant 0 : i32
      %dma_start3A_31 = arith.constant 0 : i32
      %dma_start3A_32 = tpu.memref_slice %arg6[%dma_start3A, %dma_start3A_30, %dma_start3A_31] : memref<8x64x128xf32, #tpu.memory_space<vmem>> -> memref<1x64x128xf32, #tpu.memory_space<vmem>>
      %dma_start3A_33 = tpu.memref_squeeze %dma_start3A_32 : memref<1x64x128xf32, #tpu.memory_space<vmem>> -> memref<64x128xf32, #tpu.memory_space<vmem>>
      %dma_start3A_34 = arith.constant 0 : i32
      %dma_start3A_35 = tpu.memref_slice %arg2[%dma_start3A_34, %multiple_of3A] : memref<64x1000000xf32, #tpu.memory_space<hbm>> -> memref<64x128xf32, #tpu.memory_space<hbm>>
      tpu.enqueue_dma source(%dma_start3A_35 : memref<64x128xf32, #tpu.memory_space<hbm>>) target(%dma_start3A_33 : memref<64x128xf32, #tpu.memory_space<vmem>>) target_semaphore(%arg8 : memref<!tpu.dma_semaphore, #tpu.memory_space<semaphore_mem>>)
      %slice3A_36 = vector.extract_strided_slice %get3A_5 {offsets = [1], sizes = [1], strides = [1]} : vector<16xi32> to vector<1xi32>
      %squeeze3A_37 = vector.extract %slice3A_36[0] : i32 from vector<1xi32>
      %jit3A_38 = arith.constant 128 : i32
      %div3A_39 = arith.divsi %squeeze3A_37, %jit3A_38 : i32
      %sign3A_40 = arith.constant 0 : i32
      %sign3A_41 = arith.cmpi sgt, %squeeze3A_37, %sign3A_40 : i32
      %sign3A_42 = arith.extui %sign3A_41 : i1 to i32
      %sign3A_43 = arith.constant 0 : i32
      %sign3A_44 = arith.cmpi slt, %squeeze3A_37, %sign3A_43 : i32
      %sign3A_45 = arith.extui %sign3A_44 : i1 to i32
      %sign3A_46 = arith.subi %sign3A_42, %sign3A_45 : i32
      %sign3A_47 = arith.constant 0 : i32
      %sign3A_48 = arith.cmpi sgt, %jit3A_38, %sign3A_47 : i32
      %sign3A_49 = arith.extui %sign3A_48 : i1 to i32
      %sign3A_50 = arith.constant 0 : i32
      %sign3A_51 = arith.cmpi slt, %jit3A_38, %sign3A_50 : i32
      %sign3A_52 = arith.extui %sign3A_51 : i1 to i32
      %sign3A_53 = arith.subi %sign3A_49, %sign3A_52 : i32
      %ne3A_54 = arith.cmpi ne, %sign3A_46, %sign3A_53 : i32
      %rem3A_55 = arith.remsi %squeeze3A_37, %jit3A_38 : i32
      %ne3A_56 = arith.constant 0 : i32
      %ne3A_57 = arith.cmpi ne, %rem3A_55, %ne3A_56 : i32
      %and3A_58 = arith.andi %ne3A_54, %ne3A_57 : i1
      %sub3A_59 = arith.constant 1 : i32
      %sub3A_60 = arith.subi %div3A_39, %sub3A_59 : i32
      %select_n3A_61 = arith.select %and3A_58, %sub3A_60, %div3A_39 : i32
      %mul3A_62 = arith.constant 128 : i32
      %mul3A_63 = arith.muli %select_n3A_61, %mul3A_62 : i32
      %multiple_of3A_64 = tpu.assume_multiple %mul3A_63, 128 : i32
      %dma_start3A_65 = arith.constant 1 : i32
      %dma_start3A_66 = arith.constant 0 : i32
      %dma_start3A_67 = arith.constant 0 : i32
      %dma_start3A_68 = tpu.memref_slice %arg6[%dma_start3A_65, %dma_start3A_66, %dma_start3A_67] : memref<8x64x128xf32, #tpu.memory_space<vmem>> -> memref<1x64x128xf32, #tpu.memory_space<vmem>>
      %dma_start3A_69 = tpu.memref_squeeze %dma_start3A_68 : memref<1x64x128xf32, #tpu.memory_space<vmem>> -> memref<64x128xf32, #tpu.memory_space<vmem>>
      %dma_start3A_70 = arith.constant 0 : i32
      %dma_start3A_71 = tpu.memref_slice %arg2[%dma_start3A_70, %multiple_of3A_64] : memref<64x1000000xf32, #tpu.memory_space<hbm>> -> memref<64x128xf32, #tpu.memory_space<hbm>>
      %dma_start3A_72 = arith.constant 0 : i32
      %dma_start3A_73 = arith.constant 0 : i32
      %dma_start3A_74 = tpu.memref_slice %arg6[%dma_start3A_65, %dma_start3A_72, %dma_start3A_73] : memref<8x64x128xf32, #tpu.memory_space<vmem>> -> memref<1x64x128xf32, #tpu.memory_space<vmem>>
      %dma_start3A_75 = tpu.memref_squeeze %dma_start3A_74 : memref<1x64x128xf32, #tpu.memory_space<vmem>> -> memref<64x128xf32, #tpu.memory_space<vmem>>
      %dma_start3A_76 = arith.constant 0 : i32
      %dma_start3A_77 = tpu.memref_slice %arg2[%dma_start3A_76, %multiple_of3A_64] : memref<64x1000000xf32, #tpu.memory_space<hbm>> -> memref<64x128xf32, #tpu.memory_space<hbm>>
      tpu.enqueue_dma source(%dma_start3A_77 : memref<64x128xf32, #tpu.memory_space<hbm>>) target(%dma_start3A_75 : memref<64x128xf32, #tpu.memory_space<vmem>>) target_semaphore(%arg9 : memref<!tpu.dma_semaphore, #tpu.memory_space<semaphore_mem>>)
      %slice3A_78 = vector.extract_strided_slice %get3A_5 {offsets = [2], sizes = [1], strides = [1]} : vector<16xi32> to vector<1xi32>
      %squeeze3A_79 = vector.extract %slice3A_78[0] : i32 from vector<1xi32>
      %jit3A_80 = arith.constant 128 : i32
      %div3A_81 = arith.divsi %squeeze3A_79, %jit3A_80 : i32
      %sign3A_82 = arith.constant 0 : i32
      %sign3A_83 = arith.cmpi sgt, %squeeze3A_79, %sign3A_82 : i32
      %sign3A_84 = arith.extui %sign3A_83 : i1 to i32
      %sign3A_85 = arith.constant 0 : i32
      %sign3A_86 = arith.cmpi slt, %squeeze3A_79, %sign3A_85 : i32
      %sign3A_87 = arith.extui %sign3A_86 : i1 to i32
      %sign3A_88 = arith.subi %sign3A_84, %sign3A_87 : i32
      %sign3A_89 = arith.constant 0 : i32
      %sign3A_90 = arith.cmpi sgt, %jit3A_80, %sign3A_89 : i32
      %sign3A_91 = arith.extui %sign3A_90 : i1 to i32
      %sign3A_92 = arith.constant 0 : i32
      %sign3A_93 = arith.cmpi slt, %jit3A_80, %sign3A_92 : i32
      %sign3A_94 = arith.extui %sign3A_93 : i1 to i32
      %sign3A_95 = arith.subi %sign3A_91, %sign3A_94 : i32
      %ne3A_96 = arith.cmpi ne, %sign3A_88, %sign3A_95 : i32
      %rem3A_97 = arith.remsi %squeeze3A_79, %jit3A_80 : i32
      %ne3A_98 = arith.constant 0 : i32
      %ne3A_99 = arith.cmpi ne, %rem3A_97, %ne3A_98 : i32
      %and3A_100 = arith.andi %ne3A_96, %ne3A_99 : i1
      %sub3A_101 = arith.constant 1 : i32
      %sub3A_102 = arith.subi %div3A_81, %sub3A_101 : i32
      %select_n3A_103 = arith.select %and3A_100, %sub3A_102, %div3A_81 : i32
      %mul3A_104 = arith.constant 128 : i32
      %mul3A_105 = arith.muli %select_n3A_103, %mul3A_104 : i32
      %multiple_of3A_106 = tpu.assume_multiple %mul3A_105, 128 : i32
      %dma_start3A_107 = arith.constant 2 : i32
      %dma_start3A_108 = arith.constant 0 : i32
      %dma_start3A_109 = arith.constant 0 : i32
      %dma_start3A_110 = tpu.memref_slice %arg6[%dma_start3A_107, %dma_start3A_108, %dma_start3A_109] : memref<8x64x128xf32, #tpu.memory_space<vmem>> -> memref<1x64x128xf32, #tpu.memory_space<vmem>>
      %dma_start3A_111 = tpu.memref_squeeze %dma_start3A_110 : memref<1x64x128xf32, #tpu.memory_space<vmem>> -> memref<64x128xf32, #tpu.memory_space<vmem>>
      %dma_start3A_112 = arith.constant 0 : i32
      %dma_start3A_113 = tpu.memref_slice %arg2[%dma_start3A_112, %multiple_of3A_106] : memref<64x1000000xf32, #tpu.memory_space<hbm>> -> memref<64x128xf32, #tpu.memory_space<hbm>>
      %dma_start3A_114 = arith.constant 0 : i32
      %dma_start3A_115 = arith.constant 0 : i32
      %dma_start3A_116 = tpu.memref_slice %arg6[%dma_start3A_107, %dma_start3A_114, %dma_start3A_115] : memref<8x64x128xf32, #tpu.memory_space<vmem>> -> memref<1x64x128xf32, #tpu.memory_space<vmem>>
      %dma_start3A_117 = tpu.memref_squeeze %dma_start3A_116 : memref<1x64x128xf32, #tpu.memory_space<vmem>> -> memref<64x128xf32, #tpu.memory_space<vmem>>
      %dma_start3A_118 = arith.constant 0 : i32
      %dma_start3A_119 = tpu.memref_slice %arg2[%dma_start3A_118, %multiple_of3A_106] : memref<64x1000000xf32, #tpu.memory_space<hbm>> -> memref<64x128xf32, #tpu.memory_space<hbm>>
      tpu.enqueue_dma source(%dma_start3A_119 : memref<64x128xf32, #tpu.memory_space<hbm>>) target(%dma_start3A_117 : memref<64x128xf32, #tpu.memory_space<vmem>>) target_semaphore(%arg10 : memref<!tpu.dma_semaphore, #tpu.memory_space<semaphore_mem>>)
      %slice3A_120 = vector.extract_strided_slice %get3A_5 {offsets = [3], sizes = [1], strides = [1]} : vector<16xi32> to vector<1xi32>
      %squeeze3A_121 = vector.extract %slice3A_120[0] : i32 from vector<1xi32>
      %jit3A_122 = arith.constant 128 : i32
      %div3A_123 = arith.divsi %squeeze3A_121, %jit3A_122 : i32
      %sign3A_124 = arith.constant 0 : i32
      %sign3A_125 = arith.cmpi sgt, %squeeze3A_121, %sign3A_124 : i32
      %sign3A_126 = arith.extui %sign3A_125 : i1 to i32
      %sign3A_127 = arith.constant 0 : i32
      %sign3A_128 = arith.cmpi slt, %squeeze3A_121, %sign3A_127 : i32
      %sign3A_129 = arith.extui %sign3A_128 : i1 to i32
      %sign3A_130 = arith.subi %sign3A_126, %sign3A_129 : i32
      %sign3A_131 = arith.constant 0 : i32
      %sign3A_132 = arith.cmpi sgt, %jit3A_122, %sign3A_131 : i32
      %sign3A_133 = arith.extui %sign3A_132 : i1 to i32
      %sign3A_134 = arith.constant 0 : i32
      %sign3A_135 = arith.cmpi slt, %jit3A_122, %sign3A_134 : i32
      %sign3A_136 = arith.extui %sign3A_135 : i1 to i32
      %sign3A_137 = arith.subi %sign3A_133, %sign3A_136 : i32
      %ne3A_138 = arith.cmpi ne, %sign3A_130, %sign3A_137 : i32
      %rem3A_139 = arith.remsi %squeeze3A_121, %jit3A_122 : i32
      %ne3A_140 = arith.constant 0 : i32
      %ne3A_141 = arith.cmpi ne, %rem3A_139, %ne3A_140 : i32
      %and3A_142 = arith.andi %ne3A_138, %ne3A_141 : i1
      %sub3A_143 = arith.constant 1 : i32
      %sub3A_144 = arith.subi %div3A_123, %sub3A_143 : i32
      %select_n3A_145 = arith.select %and3A_142, %sub3A_144, %div3A_123 : i32
      %mul3A_146 = arith.constant 128 : i32
      %mul3A_147 = arith.muli %select_n3A_145, %mul3A_146 : i32
      %multiple_of3A_148 = tpu.assume_multiple %mul3A_147, 128 : i32
      %dma_start3A_149 = arith.constant 3 : i32
      %dma_start3A_150 = arith.constant 0 : i32
      %dma_start3A_151 = arith.constant 0 : i32
      %dma_start3A_152 = tpu.memref_slice %arg6[%dma_start3A_149, %dma_start3A_150, %dma_start3A_151] : memref<8x64x128xf32, #tpu.memory_space<vmem>> -> memref<1x64x128xf32, #tpu.memory_space<vmem>>
      %dma_start3A_153 = tpu.memref_squeeze %dma_start3A_152 : memref<1x64x128xf32, #tpu.memory_space<vmem>> -> memref<64x128xf32, #tpu.memory_space<vmem>>
      %dma_start3A_154 = arith.constant 0 : i32
      %dma_start3A_155 = tpu.memref_slice %arg2[%dma_start3A_154, %multiple_of3A_148] : memref<64x1000000xf32, #tpu.memory_space<hbm>> -> memref<64x128xf32, #tpu.memory_space<hbm>>
      %dma_start3A_156 = arith.constant 0 : i32
      %dma_start3A_157 = arith.constant 0 : i32
      %dma_start3A_158 = tpu.memref_slice %arg6[%dma_start3A_149, %dma_start3A_156, %dma_start3A_157] : memref<8x64x128xf32, #tpu.memory_space<vmem>> -> memref<1x64x128xf32, #tpu.memory_space<vmem>>
      %dma_start3A_159 = tpu.memref_squeeze %dma_start3A_158 : memref<1x64x128xf32, #tpu.memory_space<vmem>> -> memref<64x128xf32, #tpu.memory_space<vmem>>
      %dma_start3A_160 = arith.constant 0 : i32
      %dma_start3A_161 = tpu.memref_slice %arg2[%dma_start3A_160, %multiple_of3A_148] : memref<64x1000000xf32, #tpu.memory_space<hbm>> -> memref<64x128xf32, #tpu.memory_space<hbm>>
      tpu.enqueue_dma source(%dma_start3A_161 : memref<64x128xf32, #tpu.memory_space<hbm>>) target(%dma_start3A_159 : memref<64x128xf32, #tpu.memory_space<vmem>>) target_semaphore(%arg11 : memref<!tpu.dma_semaphore, #tpu.memory_space<semaphore_mem>>)
      %slice3A_162 = vector.extract_strided_slice %get3A_5 {offsets = [4], sizes = [1], strides = [1]} : vector<16xi32> to vector<1xi32>
      %squeeze3A_163 = vector.extract %slice3A_162[0] : i32 from vector<1xi32>
      %jit3A_164 = arith.constant 128 : i32
      %div3A_165 = arith.divsi %squeeze3A_163, %jit3A_164 : i32
      %sign3A_166 = arith.constant 0 : i32
      %sign3A_167 = arith.cmpi sgt, %squeeze3A_163, %sign3A_166 : i32
      %sign3A_168 = arith.extui %sign3A_167 : i1 to i32
      %sign3A_169 = arith.constant 0 : i32
      %sign3A_170 = arith.cmpi slt, %squeeze3A_163, %sign3A_169 : i32
      %sign3A_171 = arith.extui %sign3A_170 : i1 to i32
      %sign3A_172 = arith.subi %sign3A_168, %sign3A_171 : i32
      %sign3A_173 = arith.constant 0 : i32
      %sign3A_174 = arith.cmpi sgt, %jit3A_164, %sign3A_173 : i32
      %sign3A_175 = arith.extui %sign3A_174 : i1 to i32
      %sign3A_176 = arith.constant 0 : i32
      %sign3A_177 = arith.cmpi slt, %jit3A_164, %sign3A_176 : i32
      %sign3A_178 = arith.extui %sign3A_177 : i1 to i32
      %sign3A_179 = arith.subi %sign3A_175, %sign3A_178 : i32
      %ne3A_180 = arith.cmpi ne, %sign3A_172, %sign3A_179 : i32
      %rem3A_181 = arith.remsi %squeeze3A_163, %jit3A_164 : i32
      %ne3A_182 = arith.constant 0 : i32
      %ne3A_183 = arith.cmpi ne, %rem3A_181, %ne3A_182 : i32
      %and3A_184 = arith.andi %ne3A_180, %ne3A_183 : i1
      %sub3A_185 = arith.constant 1 : i32
      %sub3A_186 = arith.subi %div3A_165, %sub3A_185 : i32
      %select_n3A_187 = arith.select %and3A_184, %sub3A_186, %div3A_165 : i32
      %mul3A_188 = arith.constant 128 : i32
      %mul3A_189 = arith.muli %select_n3A_187, %mul3A_188 : i32
      %multiple_of3A_190 = tpu.assume_multiple %mul3A_189, 128 : i32
      %dma_start3A_191 = arith.constant 4 : i32
      %dma_start3A_192 = arith.constant 0 : i32
      %dma_start3A_193 = arith.constant 0 : i32
      %dma_start3A_194 = tpu.memref_slice %arg6[%dma_start3A_191, %dma_start3A_192, %dma_start3A_193] : memref<8x64x128xf32, #tpu.memory_space<vmem>> -> memref<1x64x128xf32, #tpu.memory_space<vmem>>
      %dma_start3A_195 = tpu.memref_squeeze %dma_start3A_194 : memref<1x64x128xf32, #tpu.memory_space<vmem>> -> memref<64x128xf32, #tpu.memory_space<vmem>>
      %dma_start3A_196 = arith.constant 0 : i32
      %dma_start3A_197 = tpu.memref_slice %arg2[%dma_start3A_196, %multiple_of3A_190] : memref<64x1000000xf32, #tpu.memory_space<hbm>> -> memref<64x128xf32, #tpu.memory_space<hbm>>
      %dma_start3A_198 = arith.constant 0 : i32
      %dma_start3A_199 = arith.constant 0 : i32
      %dma_start3A_200 = tpu.memref_slice %arg6[%dma_start3A_191, %dma_start3A_198, %dma_start3A_199] : memref<8x64x128xf32, #tpu.memory_space<vmem>> -> memref<1x64x128xf32, #tpu.memory_space<vmem>>
      %dma_start3A_201 = tpu.memref_squeeze %dma_start3A_200 : memref<1x64x128xf32, #tpu.memory_space<vmem>> -> memref<64x128xf32, #tpu.memory_space<vmem>>
      %dma_start3A_202 = arith.constant 0 : i32
      %dma_start3A_203 = tpu.memref_slice %arg2[%dma_start3A_202, %multiple_of3A_190] : memref<64x1000000xf32, #tpu.memory_space<hbm>> -> memref<64x128xf32, #tpu.memory_space<hbm>>
      tpu.enqueue_dma source(%dma_start3A_203 : memref<64x128xf32, #tpu.memory_space<hbm>>) target(%dma_start3A_201 : memref<64x128xf32, #tpu.memory_space<vmem>>) target_semaphore(%arg12 : memref<!tpu.dma_semaphore, #tpu.memory_space<semaphore_mem>>)
      %slice3A_204 = vector.extract_strided_slice %get3A_5 {offsets = [5], sizes = [1], strides = [1]} : vector<16xi32> to vector<1xi32>
      %squeeze3A_205 = vector.extract %slice3A_204[0] : i32 from vector<1xi32>
      %jit3A_206 = arith.constant 128 : i32
      %div3A_207 = arith.divsi %squeeze3A_205, %jit3A_206 : i32
      %sign3A_208 = arith.constant 0 : i32
      %sign3A_209 = arith.cmpi sgt, %squeeze3A_205, %sign3A_208 : i32
      %sign3A_210 = arith.extui %sign3A_209 : i1 to i32
      %sign3A_211 = arith.constant 0 : i32
      %sign3A_212 = arith.cmpi slt, %squeeze3A_205, %sign3A_211 : i32
      %sign3A_213 = arith.extui %sign3A_212 : i1 to i32
      %sign3A_214 = arith.subi %sign3A_210, %sign3A_213 : i32
      %sign3A_215 = arith.constant 0 : i32
      %sign3A_216 = arith.cmpi sgt, %jit3A_206, %sign3A_215 : i32
      %sign3A_217 = arith.extui %sign3A_216 : i1 to i32
      %sign3A_218 = arith.constant 0 : i32
      %sign3A_219 = arith.cmpi slt, %jit3A_206, %sign3A_218 : i32
      %sign3A_220 = arith.extui %sign3A_219 : i1 to i32
      %sign3A_221 = arith.subi %sign3A_217, %sign3A_220 : i32
      %ne3A_222 = arith.cmpi ne, %sign3A_214, %sign3A_221 : i32
      %rem3A_223 = arith.remsi %squeeze3A_205, %jit3A_206 : i32
      %ne3A_224 = arith.constant 0 : i32
      %ne3A_225 = arith.cmpi ne, %rem3A_223, %ne3A_224 : i32
      %and3A_226 = arith.andi %ne3A_222, %ne3A_225 : i1
      %sub3A_227 = arith.constant 1 : i32
      %sub3A_228 = arith.subi %div3A_207, %sub3A_227 : i32
      %select_n3A_229 = arith.select %and3A_226, %sub3A_228, %div3A_207 : i32
      %mul3A_230 = arith.constant 128 : i32
      %mul3A_231 = arith.muli %select_n3A_229, %mul3A_230 : i32
      %multiple_of3A_232 = tpu.assume_multiple %mul3A_231, 128 : i32
      %dma_start3A_233 = arith.constant 5 : i32
      %dma_start3A_234 = arith.constant 0 : i32
      %dma_start3A_235 = arith.constant 0 : i32
      %dma_start3A_236 = tpu.memref_slice %arg6[%dma_start3A_233, %dma_start3A_234, %dma_start3A_235] : memref<8x64x128xf32, #tpu.memory_space<vmem>> -> memref<1x64x128xf32, #tpu.memory_space<vmem>>
      %dma_start3A_237 = tpu.memref_squeeze %dma_start3A_236 : memref<1x64x128xf32, #tpu.memory_space<vmem>> -> memref<64x128xf32, #tpu.memory_space<vmem>>
      %dma_start3A_238 = arith.constant 0 : i32
      %dma_start3A_239 = tpu.memref_slice %arg2[%dma_start3A_238, %multiple_of3A_232] : memref<64x1000000xf32, #tpu.memory_space<hbm>> -> memref<64x128xf32, #tpu.memory_space<hbm>>
      %dma_start3A_240 = arith.constant 0 : i32
      %dma_start3A_241 = arith.constant 0 : i32
      %dma_start3A_242 = tpu.memref_slice %arg6[%dma_start3A_233, %dma_start3A_240, %dma_start3A_241] : memref<8x64x128xf32, #tpu.memory_space<vmem>> -> memref<1x64x128xf32, #tpu.memory_space<vmem>>
      %dma_start3A_243 = tpu.memref_squeeze %dma_start3A_242 : memref<1x64x128xf32, #tpu.memory_space<vmem>> -> memref<64x128xf32, #tpu.memory_space<vmem>>
      %dma_start3A_244 = arith.constant 0 : i32
      %dma_start3A_245 = tpu.memref_slice %arg2[%dma_start3A_244, %multiple_of3A_232] : memref<64x1000000xf32, #tpu.memory_space<hbm>> -> memref<64x128xf32, #tpu.memory_space<hbm>>
      tpu.enqueue_dma source(%dma_start3A_245 : memref<64x128xf32, #tpu.memory_space<hbm>>) target(%dma_start3A_243 : memref<64x128xf32, #tpu.memory_space<vmem>>) target_semaphore(%arg13 : memref<!tpu.dma_semaphore, #tpu.memory_space<semaphore_mem>>)
      %slice3A_246 = vector.extract_strided_slice %get3A_5 {offsets = [6], sizes = [1], strides = [1]} : vector<16xi32> to vector<1xi32>
      %squeeze3A_247 = vector.extract %slice3A_246[0] : i32 from vector<1xi32>
      %jit3A_248 = arith.constant 128 : i32
      %div3A_249 = arith.divsi %squeeze3A_247, %jit3A_248 : i32
      %sign3A_250 = arith.constant 0 : i32
      %sign3A_251 = arith.cmpi sgt, %squeeze3A_247, %sign3A_250 : i32
      %sign3A_252 = arith.extui %sign3A_251 : i1 to i32
      %sign3A_253 = arith.constant 0 : i32
      %sign3A_254 = arith.cmpi slt, %squeeze3A_247, %sign3A_253 : i32
      %sign3A_255 = arith.extui %sign3A_254 : i1 to i32
      %sign3A_256 = arith.subi %sign3A_252, %sign3A_255 : i32
      %sign3A_257 = arith.constant 0 : i32
      %sign3A_258 = arith.cmpi sgt, %jit3A_248, %sign3A_257 : i32
      %sign3A_259 = arith.extui %sign3A_258 : i1 to i32
      %sign3A_260 = arith.constant 0 : i32
      %sign3A_261 = arith.cmpi slt, %jit3A_248, %sign3A_260 : i32
      %sign3A_262 = arith.extui %sign3A_261 : i1 to i32
      %sign3A_263 = arith.subi %sign3A_259, %sign3A_262 : i32
      %ne3A_264 = arith.cmpi ne, %sign3A_256, %sign3A_263 : i32
      %rem3A_265 = arith.remsi %squeeze3A_247, %jit3A_248 : i32
      %ne3A_266 = arith.constant 0 : i32
      %ne3A_267 = arith.cmpi ne, %rem3A_265, %ne3A_266 : i32
      %and3A_268 = arith.andi %ne3A_264, %ne3A_267 : i1
      %sub3A_269 = arith.constant 1 : i32
      %sub3A_270 = arith.subi %div3A_249, %sub3A_269 : i32
      %select_n3A_271 = arith.select %and3A_268, %sub3A_270, %div3A_249 : i32
      %mul3A_272 = arith.constant 128 : i32
      %mul3A_273 = arith.muli %select_n3A_271, %mul3A_272 : i32
      %multiple_of3A_274 = tpu.assume_multiple %mul3A_273, 128 : i32
      %dma_start3A_275 = arith.constant 6 : i32
      %dma_start3A_276 = arith.constant 0 : i32
      %dma_start3A_277 = arith.constant 0 : i32
      %dma_start3A_278 = tpu.memref_slice %arg6[%dma_start3A_275, %dma_start3A_276, %dma_start3A_277] : memref<8x64x128xf32, #tpu.memory_space<vmem>> -> memref<1x64x128xf32, #tpu.memory_space<vmem>>
      %dma_start3A_279 = tpu.memref_squeeze %dma_start3A_278 : memref<1x64x128xf32, #tpu.memory_space<vmem>> -> memref<64x128xf32, #tpu.memory_space<vmem>>
      %dma_start3A_280 = arith.constant 0 : i32
      %dma_start3A_281 = tpu.memref_slice %arg2[%dma_start3A_280, %multiple_of3A_274] : memref<64x1000000xf32, #tpu.memory_space<hbm>> -> memref<64x128xf32, #tpu.memory_space<hbm>>
      %dma_start3A_282 = arith.constant 0 : i32
      %dma_start3A_283 = arith.constant 0 : i32
      %dma_start3A_284 = tpu.memref_slice %arg6[%dma_start3A_275, %dma_start3A_282, %dma_start3A_283] : memref<8x64x128xf32, #tpu.memory_space<vmem>> -> memref<1x64x128xf32, #tpu.memory_space<vmem>>
      %dma_start3A_285 = tpu.memref_squeeze %dma_start3A_284 : memref<1x64x128xf32, #tpu.memory_space<vmem>> -> memref<64x128xf32, #tpu.memory_space<vmem>>
      %dma_start3A_286 = arith.constant 0 : i32
      %dma_start3A_287 = tpu.memref_slice %arg2[%dma_start3A_286, %multiple_of3A_274] : memref<64x1000000xf32, #tpu.memory_space<hbm>> -> memref<64x128xf32, #tpu.memory_space<hbm>>
      tpu.enqueue_dma source(%dma_start3A_287 : memref<64x128xf32, #tpu.memory_space<hbm>>) target(%dma_start3A_285 : memref<64x128xf32, #tpu.memory_space<vmem>>) target_semaphore(%arg14 : memref<!tpu.dma_semaphore, #tpu.memory_space<semaphore_mem>>)
      %slice3A_288 = vector.extract_strided_slice %get3A_5 {offsets = [7], sizes = [1], strides = [1]} : vector<16xi32> to vector<1xi32>
      %squeeze3A_289 = vector.extract %slice3A_288[0] : i32 from vector<1xi32>
      %jit3A_290 = arith.constant 128 : i32
      %div3A_291 = arith.divsi %squeeze3A_289, %jit3A_290 : i32
      %sign3A_292 = arith.constant 0 : i32
      %sign3A_293 = arith.cmpi sgt, %squeeze3A_289, %sign3A_292 : i32
      %sign3A_294 = arith.extui %sign3A_293 : i1 to i32
      %sign3A_295 = arith.constant 0 : i32
      %sign3A_296 = arith.cmpi slt, %squeeze3A_289, %sign3A_295 : i32
      %sign3A_297 = arith.extui %sign3A_296 : i1 to i32
      %sign3A_298 = arith.subi %sign3A_294, %sign3A_297 : i32
      %sign3A_299 = arith.constant 0 : i32
      %sign3A_300 = arith.cmpi sgt, %jit3A_290, %sign3A_299 : i32
      %sign3A_301 = arith.extui %sign3A_300 : i1 to i32
      %sign3A_302 = arith.constant 0 : i32
      %sign3A_303 = arith.cmpi slt, %jit3A_290, %sign3A_302 : i32
      %sign3A_304 = arith.extui %sign3A_303 : i1 to i32
      %sign3A_305 = arith.subi %sign3A_301, %sign3A_304 : i32
      %ne3A_306 = arith.cmpi ne, %sign3A_298, %sign3A_305 : i32
      %rem3A_307 = arith.remsi %squeeze3A_289, %jit3A_290 : i32
      %ne3A_308 = arith.constant 0 : i32
      %ne3A_309 = arith.cmpi ne, %rem3A_307, %ne3A_308 : i32
      %and3A_310 = arith.andi %ne3A_306, %ne3A_309 : i1
      %sub3A_311 = arith.constant 1 : i32
      %sub3A_312 = arith.subi %div3A_291, %sub3A_311 : i32
      %select_n3A_313 = arith.select %and3A_310, %sub3A_312, %div3A_291 : i32
      %mul3A_314 = arith.constant 128 : i32
      %mul3A_315 = arith.muli %select_n3A_313, %mul3A_314 : i32
      %multiple_of3A_316 = tpu.assume_multiple %mul3A_315, 128 : i32
      %dma_start3A_317 = arith.constant 7 : i32
      %dma_start3A_318 = arith.constant 0 : i32
      %dma_start3A_319 = arith.constant 0 : i32
      %dma_start3A_320 = tpu.memref_slice %arg6[%dma_start3A_317, %dma_start3A_318, %dma_start3A_319] : memref<8x64x128xf32, #tpu.memory_space<vmem>> -> memref<1x64x128xf32, #tpu.memory_space<vmem>>
      %dma_start3A_321 = tpu.memref_squeeze %dma_start3A_320 : memref<1x64x128xf32, #tpu.memory_space<vmem>> -> memref<64x128xf32, #tpu.memory_space<vmem>>
      %dma_start3A_322 = arith.constant 0 : i32
      %dma_start3A_323 = tpu.memref_slice %arg2[%dma_start3A_322, %multiple_of3A_316] : memref<64x1000000xf32, #tpu.memory_space<hbm>> -> memref<64x128xf32, #tpu.memory_space<hbm>>
      %dma_start3A_324 = arith.constant 0 : i32
      %dma_start3A_325 = arith.constant 0 : i32
      %dma_start3A_326 = tpu.memref_slice %arg6[%dma_start3A_317, %dma_start3A_324, %dma_start3A_325] : memref<8x64x128xf32, #tpu.memory_space<vmem>> -> memref<1x64x128xf32, #tpu.memory_space<vmem>>
      %dma_start3A_327 = tpu.memref_squeeze %dma_start3A_326 : memref<1x64x128xf32, #tpu.memory_space<vmem>> -> memref<64x128xf32, #tpu.memory_space<vmem>>
      %dma_start3A_328 = arith.constant 0 : i32
      %dma_start3A_329 = tpu.memref_slice %arg2[%dma_start3A_328, %multiple_of3A_316] : memref<64x1000000xf32, #tpu.memory_space<hbm>> -> memref<64x128xf32, #tpu.memory_space<hbm>>
      tpu.enqueue_dma source(%dma_start3A_329 : memref<64x128xf32, #tpu.memory_space<hbm>>) target(%dma_start3A_327 : memref<64x128xf32, #tpu.memory_space<vmem>>) target_semaphore(%arg15 : memref<!tpu.dma_semaphore, #tpu.memory_space<semaphore_mem>>)
      %iota3A = tpu.iota {dimensions = array<i32: 0>} : vector<16xi32>
      %dma_wait3A = arith.constant 0 : i32
      %dma_wait3A_330 = arith.constant 0 : i32
      %dma_wait3A_331 = arith.constant 0 : i32
      %dma_wait3A_332 = tpu.memref_slice %arg6[%dma_wait3A, %dma_wait3A_330, %dma_wait3A_331] : memref<8x64x128xf32, #tpu.memory_space<vmem>> -> memref<1x64x128xf32, #tpu.memory_space<vmem>>
      %dma_wait3A_333 = tpu.memref_squeeze %dma_wait3A_332 : memref<1x64x128xf32, #tpu.memory_space<vmem>> -> memref<64x128xf32, #tpu.memory_space<vmem>>
      %dma_wait3A_334 = arith.constant 0 : i32
      %dma_wait3A_335 = tpu.memref_slice %arg2[%dma_wait3A_334, %multiple_of3A] : memref<64x1000000xf32, #tpu.memory_space<hbm>> -> memref<64x128xf32, #tpu.memory_space<hbm>>
      %dma_wait3A_336 = arith.constant 0 : i32
      %dma_wait3A_337 = arith.constant 0 : i32
      %dma_wait3A_338 = tpu.memref_slice %arg6[%dma_wait3A, %dma_wait3A_336, %dma_wait3A_337] : memref<8x64x128xf32, #tpu.memory_space<vmem>> -> memref<1x64x128xf32, #tpu.memory_space<vmem>>
      %dma_wait3A_339 = tpu.memref_squeeze %dma_wait3A_338 : memref<1x64x128xf32, #tpu.memory_space<vmem>> -> memref<64x128xf32, #tpu.memory_space<vmem>>
      %dma_wait3A_340 = arith.constant 0 : i32
      %dma_wait3A_341 = tpu.memref_slice %arg2[%dma_wait3A_340, %multiple_of3A] : memref<64x1000000xf32, #tpu.memory_space<hbm>> -> memref<64x128xf32, #tpu.memory_space<hbm>>
      tpu.wait_dma2 semaphore(%arg8 : memref<!tpu.dma_semaphore, #tpu.memory_space<semaphore_mem>>) src(%dma_wait3A_341 : memref<64x128xf32, #tpu.memory_space<hbm>>) dst(%dma_wait3A_339 : memref<64x128xf32, #tpu.memory_space<vmem>>)
      %slice3A_342 = vector.extract_strided_slice %get3A_5 {offsets = [0], sizes = [1], strides = [1]} : vector<16xi32> to vector<1xi32>
      %squeeze3A_343 = vector.extract %slice3A_342[0] : i32 from vector<1xi32>
      %jit3A_344 = arith.constant 128 : i32
      %eq3A = arith.constant 0 : i32
      %eq3A_345 = arith.cmpi eq, %jit3A_344, %eq3A : i32
      %jit3A_346 = arith.constant 1 : i32
      %select_n3A_347 = arith.select %eq3A_345, %jit3A_346, %jit3A_344 : i32
      %rem3A_348 = arith.remsi %squeeze3A_343, %select_n3A_347 : i32
      %ne3A_349 = arith.constant 0 : i32
      %ne3A_350 = arith.cmpi ne, %rem3A_348, %ne3A_349 : i32
      %lt3A_351 = arith.constant 0 : i32
      %lt3A_352 = arith.cmpi slt, %rem3A_348, %lt3A_351 : i32
      %lt3A_353 = arith.constant 0 : i32
      %lt3A_354 = arith.cmpi slt, %select_n3A_347, %lt3A_353 : i32
      %ne3A_355 = arith.xori %lt3A_352, %lt3A_354 : i1
      %and3A_356 = arith.andi %ne3A_355, %ne3A_350 : i1
      %add3A_357 = arith.addi %rem3A_348, %select_n3A_347 : i32
      %select_n3A_358 = arith.select %and3A_356, %add3A_357, %rem3A_348 : i32
      %broadcast_in_dim3A = vector.broadcast %select_n3A_358 : i32 to vector<16xi32>
      %add3A_359 = arith.constant 0 : i32
      %add3A_360 = vector.broadcast %add3A_359 : i32 to vector<16xi32>
      %add3A_361 = arith.addi %iota3A, %add3A_360 : vector<16xi32>
      %gather3A = arith.constant 0 : i32
      %gather3A_362 = arith.constant 0 : i32
      %gather3A_363 = arith.constant 0 : i32
      %gather3A_364 = tpu.memref_slice %arg6[%gather3A, %gather3A_362, %gather3A_363] : memref<8x64x128xf32, #tpu.memory_space<vmem>> -> memref<1x64x128xf32, #tpu.memory_space<vmem>>
      %gather3A_365 = tpu.memref_squeeze %gather3A_364 : memref<1x64x128xf32, #tpu.memory_space<vmem>> -> memref<64x128xf32, #tpu.memory_space<vmem>>
      %gather3A_366 = tpu.vector_load_idx %gather3A_365[%add3A_361, %broadcast_in_dim3A] : memref<64x128xf32, #tpu.memory_space<vmem>>[vector<16xi32>, vector<16xi32>], vector<16xf32>,
      %swap3A = arith.constant 0 : i32
      %swap3A_367 = arith.index_cast %swap3A : i32 to index
      %swap3A_368 = arith.constant 0 : index
      %swap3A_369 = tpu.vector_load %arg7[%swap3A_367, %swap3A_368] {strides = array<i32>} : memref<8x64xf32, #tpu.memory_space<vmem>>, vector<16xf32>,
      tpu.vector_store %arg7[%swap3A_367, %swap3A_368], %gather3A_366 {strides = array<i32>} : memref<8x64xf32, #tpu.memory_space<vmem>>, vector<16xf32>,
      %add3A_370 = arith.constant 16 : i32
      %add3A_371 = vector.broadcast %add3A_370 : i32 to vector<16xi32>
      %add3A_372 = arith.addi %iota3A, %add3A_371 : vector<16xi32>
      %gather3A_373 = arith.constant 0 : i32
      %gather3A_374 = arith.constant 0 : i32
      %gather3A_375 = arith.constant 0 : i32
      %gather3A_376 = tpu.memref_slice %arg6[%gather3A_373, %gather3A_374, %gather3A_375] : memref<8x64x128xf32, #tpu.memory_space<vmem>> -> memref<1x64x128xf32, #tpu.memory_space<vmem>>
      %gather3A_377 = tpu.memref_squeeze %gather3A_376 : memref<1x64x128xf32, #tpu.memory_space<vmem>> -> memref<64x128xf32, #tpu.memory_space<vmem>>
      %gather3A_378 = tpu.vector_load_idx %gather3A_377[%add3A_372, %broadcast_in_dim3A] : memref<64x128xf32, #tpu.memory_space<vmem>>[vector<16xi32>, vector<16xi32>], vector<16xf32>,
      %swap3A_379 = arith.constant 0 : i32
      %swap3A_380 = arith.index_cast %swap3A_379 : i32 to index
      %swap3A_381 = arith.constant 16 : index
      %swap3A_382 = tpu.vector_load %arg7[%swap3A_380, %swap3A_381] {strides = array<i32>} : memref<8x64xf32, #tpu.memory_space<vmem>>, vector<16xf32>,
      tpu.vector_store %arg7[%swap3A_380, %swap3A_381], %gather3A_378 {strides = array<i32>} : memref<8x64xf32, #tpu.memory_space<vmem>>, vector<16xf32>,
      %add3A_383 = arith.constant 32 : i32
      %add3A_384 = vector.broadcast %add3A_383 : i32 to vector<16xi32>
      %add3A_385 = arith.addi %iota3A, %add3A_384 : vector<16xi32>
      %gather3A_386 = arith.constant 0 : i32
      %gather3A_387 = arith.constant 0 : i32
      %gather3A_388 = arith.constant 0 : i32
      %gather3A_389 = tpu.memref_slice %arg6[%gather3A_386, %gather3A_387, %gather3A_388] : memref<8x64x128xf32, #tpu.memory_space<vmem>> -> memref<1x64x128xf32, #tpu.memory_space<vmem>>
      %gather3A_390 = tpu.memref_squeeze %gather3A_389 : memref<1x64x128xf32, #tpu.memory_space<vmem>> -> memref<64x128xf32, #tpu.memory_space<vmem>>
      %gather3A_391 = tpu.vector_load_idx %gather3A_390[%add3A_385, %broadcast_in_dim3A] : memref<64x128xf32, #tpu.memory_space<vmem>>[vector<16xi32>, vector<16xi32>], vector<16xf32>,
      %swap3A_392 = arith.constant 0 : i32
      %swap3A_393 = arith.index_cast %swap3A_392 : i32 to index
      %swap3A_394 = arith.constant 32 : index
      %swap3A_395 = tpu.vector_load %arg7[%swap3A_393, %swap3A_394] {strides = array<i32>} : memref<8x64xf32, #tpu.memory_space<vmem>>, vector<16xf32>,
      tpu.vector_store %arg7[%swap3A_393, %swap3A_394], %gather3A_391 {strides = array<i32>} : memref<8x64xf32, #tpu.memory_space<vmem>>, vector<16xf32>,
      %add3A_396 = arith.constant 48 : i32
      %add3A_397 = vector.broadcast %add3A_396 : i32 to vector<16xi32>
      %add3A_398 = arith.addi %iota3A, %add3A_397 : vector<16xi32>
      %gather3A_399 = arith.constant 0 : i32
      %gather3A_400 = arith.constant 0 : i32
      %gather3A_401 = arith.constant 0 : i32
      %gather3A_402 = tpu.memref_slice %arg6[%gather3A_399, %gather3A_400, %gather3A_401] : memref<8x64x128xf32, #tpu.memory_space<vmem>> -> memref<1x64x128xf32, #tpu.memory_space<vmem>>
      %gather3A_403 = tpu.memref_squeeze %gather3A_402 : memref<1x64x128xf32, #tpu.memory_space<vmem>> -> memref<64x128xf32, #tpu.memory_space<vmem>>
      %gather3A_404 = tpu.vector_load_idx %gather3A_403[%add3A_398, %broadcast_in_dim3A] : memref<64x128xf32, #tpu.memory_space<vmem>>[vector<16xi32>, vector<16xi32>], vector<16xf32>,
      %swap3A_405 = arith.constant 0 : i32
      %swap3A_406 = arith.index_cast %swap3A_405 : i32 to index
      %swap3A_407 = arith.constant 48 : index
      %swap3A_408 = tpu.vector_load %arg7[%swap3A_406, %swap3A_407] {strides = array<i32>} : memref<8x64xf32, #tpu.memory_space<vmem>>, vector<16xf32>,
      tpu.vector_store %arg7[%swap3A_406, %swap3A_407], %gather3A_404 {strides = array<i32>} : memref<8x64xf32, #tpu.memory_space<vmem>>, vector<16xf32>,
      %dma_wait3A_409 = arith.constant 1 : i32
      %dma_wait3A_410 = arith.constant 0 : i32
      %dma_wait3A_411 = arith.constant 0 : i32
      %dma_wait3A_412 = tpu.memref_slice %arg6[%dma_wait3A_409, %dma_wait3A_410, %dma_wait3A_411] : memref<8x64x128xf32, #tpu.memory_space<vmem>> -> memref<1x64x128xf32, #tpu.memory_space<vmem>>
      %dma_wait3A_413 = tpu.memref_squeeze %dma_wait3A_412 : memref<1x64x128xf32, #tpu.memory_space<vmem>> -> memref<64x128xf32, #tpu.memory_space<vmem>>
      %dma_wait3A_414 = arith.constant 0 : i32
      %dma_wait3A_415 = tpu.memref_slice %arg2[%dma_wait3A_414, %multiple_of3A_64] : memref<64x1000000xf32, #tpu.memory_space<hbm>> -> memref<64x128xf32, #tpu.memory_space<hbm>>
      %dma_wait3A_416 = arith.constant 0 : i32
      %dma_wait3A_417 = arith.constant 0 : i32
      %dma_wait3A_418 = tpu.memref_slice %arg6[%dma_wait3A_409, %dma_wait3A_416, %dma_wait3A_417] : memref<8x64x128xf32, #tpu.memory_space<vmem>> -> memref<1x64x128xf32, #tpu.memory_space<vmem>>
      %dma_wait3A_419 = tpu.memref_squeeze %dma_wait3A_418 : memref<1x64x128xf32, #tpu.memory_space<vmem>> -> memref<64x128xf32, #tpu.memory_space<vmem>>
      %dma_wait3A_420 = arith.constant 0 : i32
      %dma_wait3A_421 = tpu.memref_slice %arg2[%dma_wait3A_420, %multiple_of3A_64] : memref<64x1000000xf32, #tpu.memory_space<hbm>> -> memref<64x128xf32, #tpu.memory_space<hbm>>
      tpu.wait_dma2 semaphore(%arg9 : memref<!tpu.dma_semaphore, #tpu.memory_space<semaphore_mem>>) src(%dma_wait3A_421 : memref<64x128xf32, #tpu.memory_space<hbm>>) dst(%dma_wait3A_419 : memref<64x128xf32, #tpu.memory_space<vmem>>)
      %slice3A_422 = vector.extract_strided_slice %get3A_5 {offsets = [1], sizes = [1], strides = [1]} : vector<16xi32> to vector<1xi32>
      %squeeze3A_423 = vector.extract %slice3A_422[0] : i32 from vector<1xi32>
      %jit3A_424 = arith.constant 128 : i32
      %eq3A_425 = arith.constant 0 : i32
      %eq3A_426 = arith.cmpi eq, %jit3A_424, %eq3A_425 : i32
      %jit3A_427 = arith.constant 1 : i32
      %select_n3A_428 = arith.select %eq3A_426, %jit3A_427, %jit3A_424 : i32
      %rem3A_429 = arith.remsi %squeeze3A_423, %select_n3A_428 : i32
      %ne3A_430 = arith.constant 0 : i32
      %ne3A_431 = arith.cmpi ne, %rem3A_429, %ne3A_430 : i32
      %lt3A_432 = arith.constant 0 : i32
      %lt3A_433 = arith.cmpi slt, %rem3A_429, %lt3A_432 : i32
      %lt3A_434 = arith.constant 0 : i32
      %lt3A_435 = arith.cmpi slt, %select_n3A_428, %lt3A_434 : i32
      %ne3A_436 = arith.xori %lt3A_433, %lt3A_435 : i1
      %and3A_437 = arith.andi %ne3A_436, %ne3A_431 : i1
      %add3A_438 = arith.addi %rem3A_429, %select_n3A_428 : i32
      %select_n3A_439 = arith.select %and3A_437, %add3A_438, %rem3A_429 : i32
      %broadcast_in_dim3A_440 = vector.broadcast %select_n3A_439 : i32 to vector<16xi32>
      %add3A_441 = arith.constant 0 : i32
      %add3A_442 = vector.broadcast %add3A_441 : i32 to vector<16xi32>
      %add3A_443 = arith.addi %iota3A, %add3A_442 : vector<16xi32>
      %gather3A_444 = arith.constant 1 : i32
      %gather3A_445 = arith.constant 0 : i32
      %gather3A_446 = arith.constant 0 : i32
      %gather3A_447 = tpu.memref_slice %arg6[%gather3A_444, %gather3A_445, %gather3A_446] : memref<8x64x128xf32, #tpu.memory_space<vmem>> -> memref<1x64x128xf32, #tpu.memory_space<vmem>>
      %gather3A_448 = tpu.memref_squeeze %gather3A_447 : memref<1x64x128xf32, #tpu.memory_space<vmem>> -> memref<64x128xf32, #tpu.memory_space<vmem>>
      %gather3A_449 = tpu.vector_load_idx %gather3A_448[%add3A_443, %broadcast_in_dim3A_440] : memref<64x128xf32, #tpu.memory_space<vmem>>[vector<16xi32>, vector<16xi32>], vector<16xf32>,
      %swap3A_450 = arith.constant 1 : i32
      %swap3A_451 = arith.index_cast %swap3A_450 : i32 to index
      %swap3A_452 = arith.constant 0 : index
      %swap3A_453 = tpu.vector_load %arg7[%swap3A_451, %swap3A_452] {strides = array<i32>} : memref<8x64xf32, #tpu.memory_space<vmem>>, vector<16xf32>,
      tpu.vector_store %arg7[%swap3A_451, %swap3A_452], %gather3A_449 {strides = array<i32>} : memref<8x64xf32, #tpu.memory_space<vmem>>, vector<16xf32>,
      %add3A_454 = arith.constant 16 : i32
      %add3A_455 = vector.broadcast %add3A_454 : i32 to vector<16xi32>
      %add3A_456 = arith.addi %iota3A, %add3A_455 : vector<16xi32>
      %gather3A_457 = arith.constant 1 : i32
      %gather3A_458 = arith.constant 0 : i32
      %gather3A_459 = arith.constant 0 : i32
      %gather3A_460 = tpu.memref_slice %arg6[%gather3A_457, %gather3A_458, %gather3A_459] : memref<8x64x128xf32, #tpu.memory_space<vmem>> -> memref<1x64x128xf32, #tpu.memory_space<vmem>>
      %gather3A_461 = tpu.memref_squeeze %gather3A_460 : memref<1x64x128xf32, #tpu.memory_space<vmem>> -> memref<64x128xf32, #tpu.memory_space<vmem>>
      %gather3A_462 = tpu.vector_load_idx %gather3A_461[%add3A_456, %broadcast_in_dim3A_440] : memref<64x128xf32, #tpu.memory_space<vmem>>[vector<16xi32>, vector<16xi32>], vector<16xf32>,
      %swap3A_463 = arith.constant 1 : i32
      %swap3A_464 = arith.index_cast %swap3A_463 : i32 to index
      %swap3A_465 = arith.constant 16 : index
      %swap3A_466 = tpu.vector_load %arg7[%swap3A_464, %swap3A_465] {strides = array<i32>} : memref<8x64xf32, #tpu.memory_space<vmem>>, vector<16xf32>,
      tpu.vector_store %arg7[%swap3A_464, %swap3A_465], %gather3A_462 {strides = array<i32>} : memref<8x64xf32, #tpu.memory_space<vmem>>, vector<16xf32>,
      %add3A_467 = arith.constant 32 : i32
      %add3A_468 = vector.broadcast %add3A_467 : i32 to vector<16xi32>
      %add3A_469 = arith.addi %iota3A, %add3A_468 : vector<16xi32>
      %gather3A_470 = arith.constant 1 : i32
      %gather3A_471 = arith.constant 0 : i32
      %gather3A_472 = arith.constant 0 : i32
      %gather3A_473 = tpu.memref_slice %arg6[%gather3A_470, %gather3A_471, %gather3A_472] : memref<8x64x128xf32, #tpu.memory_space<vmem>> -> memref<1x64x128xf32, #tpu.memory_space<vmem>>
      %gather3A_474 = tpu.memref_squeeze %gather3A_473 : memref<1x64x128xf32, #tpu.memory_space<vmem>> -> memref<64x128xf32, #tpu.memory_space<vmem>>
      %gather3A_475 = tpu.vector_load_idx %gather3A_474[%add3A_469, %broadcast_in_dim3A_440] : memref<64x128xf32, #tpu.memory_space<vmem>>[vector<16xi32>, vector<16xi32>], vector<16xf32>,
      %swap3A_476 = arith.constant 1 : i32
      %swap3A_477 = arith.index_cast %swap3A_476 : i32 to index
      %swap3A_478 = arith.constant 32 : index
      %swap3A_479 = tpu.vector_load %arg7[%swap3A_477, %swap3A_478] {strides = array<i32>} : memref<8x64xf32, #tpu.memory_space<vmem>>, vector<16xf32>,
      tpu.vector_store %arg7[%swap3A_477, %swap3A_478], %gather3A_475 {strides = array<i32>} : memref<8x64xf32, #tpu.memory_space<vmem>>, vector<16xf32>,
      %add3A_480 = arith.constant 48 : i32
      %add3A_481 = vector.broadcast %add3A_480 : i32 to vector<16xi32>
      %add3A_482 = arith.addi %iota3A, %add3A_481 : vector<16xi32>
      %gather3A_483 = arith.constant 1 : i32
      %gather3A_484 = arith.constant 0 : i32
      %gather3A_485 = arith.constant 0 : i32
      %gather3A_486 = tpu.memref_slice %arg6[%gather3A_483, %gather3A_484, %gather3A_485] : memref<8x64x128xf32, #tpu.memory_space<vmem>> -> memref<1x64x128xf32, #tpu.memory_space<vmem>>
      %gather3A_487 = tpu.memref_squeeze %gather3A_486 : memref<1x64x128xf32, #tpu.memory_space<vmem>> -> memref<64x128xf32, #tpu.memory_space<vmem>>
      %gather3A_488 = tpu.vector_load_idx %gather3A_487[%add3A_482, %broadcast_in_dim3A_440] : memref<64x128xf32, #tpu.memory_space<vmem>>[vector<16xi32>, vector<16xi32>], vector<16xf32>,
      %swap3A_489 = arith.constant 1 : i32
      %swap3A_490 = arith.index_cast %swap3A_489 : i32 to index
      %swap3A_491 = arith.constant 48 : index
      %swap3A_492 = tpu.vector_load %arg7[%swap3A_490, %swap3A_491] {strides = array<i32>} : memref<8x64xf32, #tpu.memory_space<vmem>>, vector<16xf32>,
      tpu.vector_store %arg7[%swap3A_490, %swap3A_491], %gather3A_488 {strides = array<i32>} : memref<8x64xf32, #tpu.memory_space<vmem>>, vector<16xf32>,
      %dma_wait3A_493 = arith.constant 2 : i32
      %dma_wait3A_494 = arith.constant 0 : i32
      %dma_wait3A_495 = arith.constant 0 : i32
      %dma_wait3A_496 = tpu.memref_slice %arg6[%dma_wait3A_493, %dma_wait3A_494, %dma_wait3A_495] : memref<8x64x128xf32, #tpu.memory_space<vmem>> -> memref<1x64x128xf32, #tpu.memory_space<vmem>>
      %dma_wait3A_497 = tpu.memref_squeeze %dma_wait3A_496 : memref<1x64x128xf32, #tpu.memory_space<vmem>> -> memref<64x128xf32, #tpu.memory_space<vmem>>
      %dma_wait3A_498 = arith.constant 0 : i32
      %dma_wait3A_499 = tpu.memref_slice %arg2[%dma_wait3A_498, %multiple_of3A_106] : memref<64x1000000xf32, #tpu.memory_space<hbm>> -> memref<64x128xf32, #tpu.memory_space<hbm>>
      %dma_wait3A_500 = arith.constant 0 : i32
      %dma_wait3A_501 = arith.constant 0 : i32
      %dma_wait3A_502 = tpu.memref_slice %arg6[%dma_wait3A_493, %dma_wait3A_500, %dma_wait3A_501] : memref<8x64x128xf32, #tpu.memory_space<vmem>> -> memref<1x64x128xf32, #tpu.memory_space<vmem>>
      %dma_wait3A_503 = tpu.memref_squeeze %dma_wait3A_502 : memref<1x64x128xf32, #tpu.memory_space<vmem>> -> memref<64x128xf32, #tpu.memory_space<vmem>>
      %dma_wait3A_504 = arith.constant 0 : i32
      %dma_wait3A_505 = tpu.memref_slice %arg2[%dma_wait3A_504, %multiple_of3A_106] : memref<64x1000000xf32, #tpu.memory_space<hbm>> -> memref<64x128xf32, #tpu.memory_space<hbm>>
      tpu.wait_dma2 semaphore(%arg10 : memref<!tpu.dma_semaphore, #tpu.memory_space<semaphore_mem>>) src(%dma_wait3A_505 : memref<64x128xf32, #tpu.memory_space<hbm>>) dst(%dma_wait3A_503 : memref<64x128xf32, #tpu.memory_space<vmem>>)
      %slice3A_506 = vector.extract_strided_slice %get3A_5 {offsets = [2], sizes = [1], strides = [1]} : vector<16xi32> to vector<1xi32>
      %squeeze3A_507 = vector.extract %slice3A_506[0] : i32 from vector<1xi32>
      %jit3A_508 = arith.constant 128 : i32
      %eq3A_509 = arith.constant 0 : i32
      %eq3A_510 = arith.cmpi eq, %jit3A_508, %eq3A_509 : i32
      %jit3A_511 = arith.constant 1 : i32
      %select_n3A_512 = arith.select %eq3A_510, %jit3A_511, %jit3A_508 : i32
      %rem3A_513 = arith.remsi %squeeze3A_507, %select_n3A_512 : i32
      %ne3A_514 = arith.constant 0 : i32
      %ne3A_515 = arith.cmpi ne, %rem3A_513, %ne3A_514 : i32
      %lt3A_516 = arith.constant 0 : i32
      %lt3A_517 = arith.cmpi slt, %rem3A_513, %lt3A_516 : i32
      %lt3A_518 = arith.constant 0 : i32
      %lt3A_519 = arith.cmpi slt, %select_n3A_512, %lt3A_518 : i32
      %ne3A_520 = arith.xori %lt3A_517, %lt3A_519 : i1
      %and3A_521 = arith.andi %ne3A_520, %ne3A_515 : i1
      %add3A_522 = arith.addi %rem3A_513, %select_n3A_512 : i32
      %select_n3A_523 = arith.select %and3A_521, %add3A_522, %rem3A_513 : i32
      %broadcast_in_dim3A_524 = vector.broadcast %select_n3A_523 : i32 to vector<16xi32>
      %add3A_525 = arith.constant 0 : i32
      %add3A_526 = vector.broadcast %add3A_525 : i32 to vector<16xi32>
      %add3A_527 = arith.addi %iota3A, %add3A_526 : vector<16xi32>
      %gather3A_528 = arith.constant 2 : i32
      %gather3A_529 = arith.constant 0 : i32
      %gather3A_530 = arith.constant 0 : i32
      %gather3A_531 = tpu.memref_slice %arg6[%gather3A_528, %gather3A_529, %gather3A_530] : memref<8x64x128xf32, #tpu.memory_space<vmem>> -> memref<1x64x128xf32, #tpu.memory_space<vmem>>
      %gather3A_532 = tpu.memref_squeeze %gather3A_531 : memref<1x64x128xf32, #tpu.memory_space<vmem>> -> memref<64x128xf32, #tpu.memory_space<vmem>>
      %gather3A_533 = tpu.vector_load_idx %gather3A_532[%add3A_527, %broadcast_in_dim3A_524] : memref<64x128xf32, #tpu.memory_space<vmem>>[vector<16xi32>, vector<16xi32>], vector<16xf32>,
      %swap3A_534 = arith.constant 2 : i32
      %swap3A_535 = arith.index_cast %swap3A_534 : i32 to index
      %swap3A_536 = arith.constant 0 : index
      %swap3A_537 = tpu.vector_load %arg7[%swap3A_535, %swap3A_536] {strides = array<i32>} : memref<8x64xf32, #tpu.memory_space<vmem>>, vector<16xf32>,
      tpu.vector_store %arg7[%swap3A_535, %swap3A_536], %gather3A_533 {strides = array<i32>} : memref<8x64xf32, #tpu.memory_space<vmem>>, vector<16xf32>,
      %add3A_538 = arith.constant 16 : i32
      %add3A_539 = vector.broadcast %add3A_538 : i32 to vector<16xi32>
      %add3A_540 = arith.addi %iota3A, %add3A_539 : vector<16xi32>
      %gather3A_541 = arith.constant 2 : i32
      %gather3A_542 = arith.constant 0 : i32
      %gather3A_543 = arith.constant 0 : i32
      %gather3A_544 = tpu.memref_slice %arg6[%gather3A_541, %gather3A_542, %gather3A_543] : memref<8x64x128xf32, #tpu.memory_space<vmem>> -> memref<1x64x128xf32, #tpu.memory_space<vmem>>
      %gather3A_545 = tpu.memref_squeeze %gather3A_544 : memref<1x64x128xf32, #tpu.memory_space<vmem>> -> memref<64x128xf32, #tpu.memory_space<vmem>>
      %gather3A_546 = tpu.vector_load_idx %gather3A_545[%add3A_540, %broadcast_in_dim3A_524] : memref<64x128xf32, #tpu.memory_space<vmem>>[vector<16xi32>, vector<16xi32>], vector<16xf32>,
      %swap3A_547 = arith.constant 2 : i32
      %swap3A_548 = arith.index_cast %swap3A_547 : i32 to index
      %swap3A_549 = arith.constant 16 : index
      %swap3A_550 = tpu.vector_load %arg7[%swap3A_548, %swap3A_549] {strides = array<i32>} : memref<8x64xf32, #tpu.memory_space<vmem>>, vector<16xf32>,
      tpu.vector_store %arg7[%swap3A_548, %swap3A_549], %gather3A_546 {strides = array<i32>} : memref<8x64xf32, #tpu.memory_space<vmem>>, vector<16xf32>,
      %add3A_551 = arith.constant 32 : i32
      %add3A_552 = vector.broadcast %add3A_551 : i32 to vector<16xi32>
      %add3A_553 = arith.addi %iota3A, %add3A_552 : vector<16xi32>
      %gather3A_554 = arith.constant 2 : i32
      %gather3A_555 = arith.constant 0 : i32
      %gather3A_556 = arith.constant 0 : i32
      %gather3A_557 = tpu.memref_slice %arg6[%gather3A_554, %gather3A_555, %gather3A_556] : memref<8x64x128xf32, #tpu.memory_space<vmem>> -> memref<1x64x128xf32, #tpu.memory_space<vmem>>
      %gather3A_558 = tpu.memref_squeeze %gather3A_557 : memref<1x64x128xf32, #tpu.memory_space<vmem>> -> memref<64x128xf32, #tpu.memory_space<vmem>>
      %gather3A_559 = tpu.vector_load_idx %gather3A_558[%add3A_553, %broadcast_in_dim3A_524] : memref<64x128xf32, #tpu.memory_space<vmem>>[vector<16xi32>, vector<16xi32>], vector<16xf32>,
      %swap3A_560 = arith.constant 2 : i32
      %swap3A_561 = arith.index_cast %swap3A_560 : i32 to index
      %swap3A_562 = arith.constant 32 : index
      %swap3A_563 = tpu.vector_load %arg7[%swap3A_561, %swap3A_562] {strides = array<i32>} : memref<8x64xf32, #tpu.memory_space<vmem>>, vector<16xf32>,
      tpu.vector_store %arg7[%swap3A_561, %swap3A_562], %gather3A_559 {strides = array<i32>} : memref<8x64xf32, #tpu.memory_space<vmem>>, vector<16xf32>,
      %add3A_564 = arith.constant 48 : i32
      %add3A_565 = vector.broadcast %add3A_564 : i32 to vector<16xi32>
      %add3A_566 = arith.addi %iota3A, %add3A_565 : vector<16xi32>
      %gather3A_567 = arith.constant 2 : i32
      %gather3A_568 = arith.constant 0 : i32
      %gather3A_569 = arith.constant 0 : i32
      %gather3A_570 = tpu.memref_slice %arg6[%gather3A_567, %gather3A_568, %gather3A_569] : memref<8x64x128xf32, #tpu.memory_space<vmem>> -> memref<1x64x128xf32, #tpu.memory_space<vmem>>
      %gather3A_571 = tpu.memref_squeeze %gather3A_570 : memref<1x64x128xf32, #tpu.memory_space<vmem>> -> memref<64x128xf32, #tpu.memory_space<vmem>>
      %gather3A_572 = tpu.vector_load_idx %gather3A_571[%add3A_566, %broadcast_in_dim3A_524] : memref<64x128xf32, #tpu.memory_space<vmem>>[vector<16xi32>, vector<16xi32>], vector<16xf32>,
      %swap3A_573 = arith.constant 2 : i32
      %swap3A_574 = arith.index_cast %swap3A_573 : i32 to index
      %swap3A_575 = arith.constant 48 : index
      %swap3A_576 = tpu.vector_load %arg7[%swap3A_574, %swap3A_575] {strides = array<i32>} : memref<8x64xf32, #tpu.memory_space<vmem>>, vector<16xf32>,
      tpu.vector_store %arg7[%swap3A_574, %swap3A_575], %gather3A_572 {strides = array<i32>} : memref<8x64xf32, #tpu.memory_space<vmem>>, vector<16xf32>,
      %dma_wait3A_577 = arith.constant 3 : i32
      %dma_wait3A_578 = arith.constant 0 : i32
      %dma_wait3A_579 = arith.constant 0 : i32
      %dma_wait3A_580 = tpu.memref_slice %arg6[%dma_wait3A_577, %dma_wait3A_578, %dma_wait3A_579] : memref<8x64x128xf32, #tpu.memory_space<vmem>> -> memref<1x64x128xf32, #tpu.memory_space<vmem>>
      %dma_wait3A_581 = tpu.memref_squeeze %dma_wait3A_580 : memref<1x64x128xf32, #tpu.memory_space<vmem>> -> memref<64x128xf32, #tpu.memory_space<vmem>>
      %dma_wait3A_582 = arith.constant 0 : i32
      %dma_wait3A_583 = tpu.memref_slice %arg2[%dma_wait3A_582, %multiple_of3A_148] : memref<64x1000000xf32, #tpu.memory_space<hbm>> -> memref<64x128xf32, #tpu.memory_space<hbm>>
      %dma_wait3A_584 = arith.constant 0 : i32
      %dma_wait3A_585 = arith.constant 0 : i32
      %dma_wait3A_586 = tpu.memref_slice %arg6[%dma_wait3A_577, %dma_wait3A_584, %dma_wait3A_585] : memref<8x64x128xf32, #tpu.memory_space<vmem>> -> memref<1x64x128xf32, #tpu.memory_space<vmem>>
      %dma_wait3A_587 = tpu.memref_squeeze %dma_wait3A_586 : memref<1x64x128xf32, #tpu.memory_space<vmem>> -> memref<64x128xf32, #tpu.memory_space<vmem>>
      %dma_wait3A_588 = arith.constant 0 : i32
      %dma_wait3A_589 = tpu.memref_slice %arg2[%dma_wait3A_588, %multiple_of3A_148] : memref<64x1000000xf32, #tpu.memory_space<hbm>> -> memref<64x128xf32, #tpu.memory_space<hbm>>
      tpu.wait_dma2 semaphore(%arg11 : memref<!tpu.dma_semaphore, #tpu.memory_space<semaphore_mem>>) src(%dma_wait3A_589 : memref<64x128xf32, #tpu.memory_space<hbm>>) dst(%dma_wait3A_587 : memref<64x128xf32, #tpu.memory_space<vmem>>)
      %slice3A_590 = vector.extract_strided_slice %get3A_5 {offsets = [3], sizes = [1], strides = [1]} : vector<16xi32> to vector<1xi32>
      %squeeze3A_591 = vector.extract %slice3A_590[0] : i32 from vector<1xi32>
      %jit3A_592 = arith.constant 128 : i32
      %eq3A_593 = arith.constant 0 : i32
      %eq3A_594 = arith.cmpi eq, %jit3A_592, %eq3A_593 : i32
      %jit3A_595 = arith.constant 1 : i32
      %select_n3A_596 = arith.select %eq3A_594, %jit3A_595, %jit3A_592 : i32
      %rem3A_597 = arith.remsi %squeeze3A_591, %select_n3A_596 : i32
      %ne3A_598 = arith.constant 0 : i32
      %ne3A_599 = arith.cmpi ne, %rem3A_597, %ne3A_598 : i32
      %lt3A_600 = arith.constant 0 : i32
      %lt3A_601 = arith.cmpi slt, %rem3A_597, %lt3A_600 : i32
      %lt3A_602 = arith.constant 0 : i32
      %lt3A_603 = arith.cmpi slt, %select_n3A_596, %lt3A_602 : i32
      %ne3A_604 = arith.xori %lt3A_601, %lt3A_603 : i1
      %and3A_605 = arith.andi %ne3A_604, %ne3A_599 : i1
      %add3A_606 = arith.addi %rem3A_597, %select_n3A_596 : i32
      %select_n3A_607 = arith.select %and3A_605, %add3A_606, %rem3A_597 : i32
      %broadcast_in_dim3A_608 = vector.broadcast %select_n3A_607 : i32 to vector<16xi32>
      %add3A_609 = arith.constant 0 : i32
      %add3A_610 = vector.broadcast %add3A_609 : i32 to vector<16xi32>
      %add3A_611 = arith.addi %iota3A, %add3A_610 : vector<16xi32>
      %gather3A_612 = arith.constant 3 : i32
      %gather3A_613 = arith.constant 0 : i32
      %gather3A_614 = arith.constant 0 : i32
      %gather3A_615 = tpu.memref_slice %arg6[%gather3A_612, %gather3A_613, %gather3A_614] : memref<8x64x128xf32, #tpu.memory_space<vmem>> -> memref<1x64x128xf32, #tpu.memory_space<vmem>>
      %gather3A_616 = tpu.memref_squeeze %gather3A_615 : memref<1x64x128xf32, #tpu.memory_space<vmem>> -> memref<64x128xf32, #tpu.memory_space<vmem>>
      %gather3A_617 = tpu.vector_load_idx %gather3A_616[%add3A_611, %broadcast_in_dim3A_608] : memref<64x128xf32, #tpu.memory_space<vmem>>[vector<16xi32>, vector<16xi32>], vector<16xf32>,
      %swap3A_618 = arith.constant 3 : i32
      %swap3A_619 = arith.index_cast %swap3A_618 : i32 to index
      %swap3A_620 = arith.constant 0 : index
      %swap3A_621 = tpu.vector_load %arg7[%swap3A_619, %swap3A_620] {strides = array<i32>} : memref<8x64xf32, #tpu.memory_space<vmem>>, vector<16xf32>,
      tpu.vector_store %arg7[%swap3A_619, %swap3A_620], %gather3A_617 {strides = array<i32>} : memref<8x64xf32, #tpu.memory_space<vmem>>, vector<16xf32>,
      %add3A_622 = arith.constant 16 : i32
      %add3A_623 = vector.broadcast %add3A_622 : i32 to vector<16xi32>
      %add3A_624 = arith.addi %iota3A, %add3A_623 : vector<16xi32>
      %gather3A_625 = arith.constant 3 : i32
      %gather3A_626 = arith.constant 0 : i32
      %gather3A_627 = arith.constant 0 : i32
      %gather3A_628 = tpu.memref_slice %arg6[%gather3A_625, %gather3A_626, %gather3A_627] : memref<8x64x128xf32, #tpu.memory_space<vmem>> -> memref<1x64x128xf32, #tpu.memory_space<vmem>>
      %gather3A_629 = tpu.memref_squeeze %gather3A_628 : memref<1x64x128xf32, #tpu.memory_space<vmem>> -> memref<64x128xf32, #tpu.memory_space<vmem>>
      %gather3A_630 = tpu.vector_load_idx %gather3A_629[%add3A_624, %broadcast_in_dim3A_608] : memref<64x128xf32, #tpu.memory_space<vmem>>[vector<16xi32>, vector<16xi32>], vector<16xf32>,
      %swap3A_631 = arith.constant 3 : i32
      %swap3A_632 = arith.index_cast %swap3A_631 : i32 to index
      %swap3A_633 = arith.constant 16 : index
      %swap3A_634 = tpu.vector_load %arg7[%swap3A_632, %swap3A_633] {strides = array<i32>} : memref<8x64xf32, #tpu.memory_space<vmem>>, vector<16xf32>,
      tpu.vector_store %arg7[%swap3A_632, %swap3A_633], %gather3A_630 {strides = array<i32>} : memref<8x64xf32, #tpu.memory_space<vmem>>, vector<16xf32>,
      %add3A_635 = arith.constant 32 : i32
      %add3A_636 = vector.broadcast %add3A_635 : i32 to vector<16xi32>
      %add3A_637 = arith.addi %iota3A, %add3A_636 : vector<16xi32>
      %gather3A_638 = arith.constant 3 : i32
      %gather3A_639 = arith.constant 0 : i32
      %gather3A_640 = arith.constant 0 : i32
      %gather3A_641 = tpu.memref_slice %arg6[%gather3A_638, %gather3A_639, %gather3A_640] : memref<8x64x128xf32, #tpu.memory_space<vmem>> -> memref<1x64x128xf32, #tpu.memory_space<vmem>>
      %gather3A_642 = tpu.memref_squeeze %gather3A_641 : memref<1x64x128xf32, #tpu.memory_space<vmem>> -> memref<64x128xf32, #tpu.memory_space<vmem>>
      %gather3A_643 = tpu.vector_load_idx %gather3A_642[%add3A_637, %broadcast_in_dim3A_608] : memref<64x128xf32, #tpu.memory_space<vmem>>[vector<16xi32>, vector<16xi32>], vector<16xf32>,
      %swap3A_644 = arith.constant 3 : i32
      %swap3A_645 = arith.index_cast %swap3A_644 : i32 to index
      %swap3A_646 = arith.constant 32 : index
      %swap3A_647 = tpu.vector_load %arg7[%swap3A_645, %swap3A_646] {strides = array<i32>} : memref<8x64xf32, #tpu.memory_space<vmem>>, vector<16xf32>,
      tpu.vector_store %arg7[%swap3A_645, %swap3A_646], %gather3A_643 {strides = array<i32>} : memref<8x64xf32, #tpu.memory_space<vmem>>, vector<16xf32>,
      %add3A_648 = arith.constant 48 : i32
      %add3A_649 = vector.broadcast %add3A_648 : i32 to vector<16xi32>
      %add3A_650 = arith.addi %iota3A, %add3A_649 : vector<16xi32>
      %gather3A_651 = arith.constant 3 : i32
      %gather3A_652 = arith.constant 0 : i32
      %gather3A_653 = arith.constant 0 : i32
      %gather3A_654 = tpu.memref_slice %arg6[%gather3A_651, %gather3A_652, %gather3A_653] : memref<8x64x128xf32, #tpu.memory_space<vmem>> -> memref<1x64x128xf32, #tpu.memory_space<vmem>>
      %gather3A_655 = tpu.memref_squeeze %gather3A_654 : memref<1x64x128xf32, #tpu.memory_space<vmem>> -> memref<64x128xf32, #tpu.memory_space<vmem>>
      %gather3A_656 = tpu.vector_load_idx %gather3A_655[%add3A_650, %broadcast_in_dim3A_608] : memref<64x128xf32, #tpu.memory_space<vmem>>[vector<16xi32>, vector<16xi32>], vector<16xf32>,
      %swap3A_657 = arith.constant 3 : i32
      %swap3A_658 = arith.index_cast %swap3A_657 : i32 to index
      %swap3A_659 = arith.constant 48 : index
      %swap3A_660 = tpu.vector_load %arg7[%swap3A_658, %swap3A_659] {strides = array<i32>} : memref<8x64xf32, #tpu.memory_space<vmem>>, vector<16xf32>,
      tpu.vector_store %arg7[%swap3A_658, %swap3A_659], %gather3A_656 {strides = array<i32>} : memref<8x64xf32, #tpu.memory_space<vmem>>, vector<16xf32>,
      %dma_wait3A_661 = arith.constant 4 : i32
      %dma_wait3A_662 = arith.constant 0 : i32
      %dma_wait3A_663 = arith.constant 0 : i32
      %dma_wait3A_664 = tpu.memref_slice %arg6[%dma_wait3A_661, %dma_wait3A_662, %dma_wait3A_663] : memref<8x64x128xf32, #tpu.memory_space<vmem>> -> memref<1x64x128xf32, #tpu.memory_space<vmem>>
      %dma_wait3A_665 = tpu.memref_squeeze %dma_wait3A_664 : memref<1x64x128xf32, #tpu.memory_space<vmem>> -> memref<64x128xf32, #tpu.memory_space<vmem>>
      %dma_wait3A_666 = arith.constant 0 : i32
      %dma_wait3A_667 = tpu.memref_slice %arg2[%dma_wait3A_666, %multiple_of3A_190] : memref<64x1000000xf32, #tpu.memory_space<hbm>> -> memref<64x128xf32, #tpu.memory_space<hbm>>
      %dma_wait3A_668 = arith.constant 0 : i32
      %dma_wait3A_669 = arith.constant 0 : i32
      %dma_wait3A_670 = tpu.memref_slice %arg6[%dma_wait3A_661, %dma_wait3A_668, %dma_wait3A_669] : memref<8x64x128xf32, #tpu.memory_space<vmem>> -> memref<1x64x128xf32, #tpu.memory_space<vmem>>
      %dma_wait3A_671 = tpu.memref_squeeze %dma_wait3A_670 : memref<1x64x128xf32, #tpu.memory_space<vmem>> -> memref<64x128xf32, #tpu.memory_space<vmem>>
      %dma_wait3A_672 = arith.constant 0 : i32
      %dma_wait3A_673 = tpu.memref_slice %arg2[%dma_wait3A_672, %multiple_of3A_190] : memref<64x1000000xf32, #tpu.memory_space<hbm>> -> memref<64x128xf32, #tpu.memory_space<hbm>>
      tpu.wait_dma2 semaphore(%arg12 : memref<!tpu.dma_semaphore, #tpu.memory_space<semaphore_mem>>) src(%dma_wait3A_673 : memref<64x128xf32, #tpu.memory_space<hbm>>) dst(%dma_wait3A_671 : memref<64x128xf32, #tpu.memory_space<vmem>>)
      %slice3A_674 = vector.extract_strided_slice %get3A_5 {offsets = [4], sizes = [1], strides = [1]} : vector<16xi32> to vector<1xi32>
      %squeeze3A_675 = vector.extract %slice3A_674[0] : i32 from vector<1xi32>
      %jit3A_676 = arith.constant 128 : i32
      %eq3A_677 = arith.constant 0 : i32
      %eq3A_678 = arith.cmpi eq, %jit3A_676, %eq3A_677 : i32
      %jit3A_679 = arith.constant 1 : i32
      %select_n3A_680 = arith.select %eq3A_678, %jit3A_679, %jit3A_676 : i32
      %rem3A_681 = arith.remsi %squeeze3A_675, %select_n3A_680 : i32
      %ne3A_682 = arith.constant 0 : i32
      %ne3A_683 = arith.cmpi ne, %rem3A_681, %ne3A_682 : i32
      %lt3A_684 = arith.constant 0 : i32
      %lt3A_685 = arith.cmpi slt, %rem3A_681, %lt3A_684 : i32
      %lt3A_686 = arith.constant 0 : i32
      %lt3A_687 = arith.cmpi slt, %select_n3A_680, %lt3A_686 : i32
      %ne3A_688 = arith.xori %lt3A_685, %lt3A_687 : i1
      %and3A_689 = arith.andi %ne3A_688, %ne3A_683 : i1
      %add3A_690 = arith.addi %rem3A_681, %select_n3A_680 : i32
      %select_n3A_691 = arith.select %and3A_689, %add3A_690, %rem3A_681 : i32
      %broadcast_in_dim3A_692 = vector.broadcast %select_n3A_691 : i32 to vector<16xi32>
      %add3A_693 = arith.constant 0 : i32
      %add3A_694 = vector.broadcast %add3A_693 : i32 to vector<16xi32>
      %add3A_695 = arith.addi %iota3A, %add3A_694 : vector<16xi32>
      %gather3A_696 = arith.constant 4 : i32
      %gather3A_697 = arith.constant 0 : i32
      %gather3A_698 = arith.constant 0 : i32
      %gather3A_699 = tpu.memref_slice %arg6[%gather3A_696, %gather3A_697, %gather3A_698] : memref<8x64x128xf32, #tpu.memory_space<vmem>> -> memref<1x64x128xf32, #tpu.memory_space<vmem>>
      %gather3A_700 = tpu.memref_squeeze %gather3A_699 : memref<1x64x128xf32, #tpu.memory_space<vmem>> -> memref<64x128xf32, #tpu.memory_space<vmem>>
      %gather3A_701 = tpu.vector_load_idx %gather3A_700[%add3A_695, %broadcast_in_dim3A_692] : memref<64x128xf32, #tpu.memory_space<vmem>>[vector<16xi32>, vector<16xi32>], vector<16xf32>,
      %swap3A_702 = arith.constant 4 : i32
      %swap3A_703 = arith.index_cast %swap3A_702 : i32 to index
      %swap3A_704 = arith.constant 0 : index
      %swap3A_705 = tpu.vector_load %arg7[%swap3A_703, %swap3A_704] {strides = array<i32>} : memref<8x64xf32, #tpu.memory_space<vmem>>, vector<16xf32>,
      tpu.vector_store %arg7[%swap3A_703, %swap3A_704], %gather3A_701 {strides = array<i32>} : memref<8x64xf32, #tpu.memory_space<vmem>>, vector<16xf32>,
      %add3A_706 = arith.constant 16 : i32
      %add3A_707 = vector.broadcast %add3A_706 : i32 to vector<16xi32>
      %add3A_708 = arith.addi %iota3A, %add3A_707 : vector<16xi32>
      %gather3A_709 = arith.constant 4 : i32
      %gather3A_710 = arith.constant 0 : i32
      %gather3A_711 = arith.constant 0 : i32
      %gather3A_712 = tpu.memref_slice %arg6[%gather3A_709, %gather3A_710, %gather3A_711] : memref<8x64x128xf32, #tpu.memory_space<vmem>> -> memref<1x64x128xf32, #tpu.memory_space<vmem>>
      %gather3A_713 = tpu.memref_squeeze %gather3A_712 : memref<1x64x128xf32, #tpu.memory_space<vmem>> -> memref<64x128xf32, #tpu.memory_space<vmem>>
      %gather3A_714 = tpu.vector_load_idx %gather3A_713[%add3A_708, %broadcast_in_dim3A_692] : memref<64x128xf32, #tpu.memory_space<vmem>>[vector<16xi32>, vector<16xi32>], vector<16xf32>,
      %swap3A_715 = arith.constant 4 : i32
      %swap3A_716 = arith.index_cast %swap3A_715 : i32 to index
      %swap3A_717 = arith.constant 16 : index
      %swap3A_718 = tpu.vector_load %arg7[%swap3A_716, %swap3A_717] {strides = array<i32>} : memref<8x64xf32, #tpu.memory_space<vmem>>, vector<16xf32>,
      tpu.vector_store %arg7[%swap3A_716, %swap3A_717], %gather3A_714 {strides = array<i32>} : memref<8x64xf32, #tpu.memory_space<vmem>>, vector<16xf32>,
      %add3A_719 = arith.constant 32 : i32
      %add3A_720 = vector.broadcast %add3A_719 : i32 to vector<16xi32>
      %add3A_721 = arith.addi %iota3A, %add3A_720 : vector<16xi32>
      %gather3A_722 = arith.constant 4 : i32
      %gather3A_723 = arith.constant 0 : i32
      %gather3A_724 = arith.constant 0 : i32
      %gather3A_725 = tpu.memref_slice %arg6[%gather3A_722, %gather3A_723, %gather3A_724] : memref<8x64x128xf32, #tpu.memory_space<vmem>> -> memref<1x64x128xf32, #tpu.memory_space<vmem>>
      %gather3A_726 = tpu.memref_squeeze %gather3A_725 : memref<1x64x128xf32, #tpu.memory_space<vmem>> -> memref<64x128xf32, #tpu.memory_space<vmem>>
      %gather3A_727 = tpu.vector_load_idx %gather3A_726[%add3A_721, %broadcast_in_dim3A_692] : memref<64x128xf32, #tpu.memory_space<vmem>>[vector<16xi32>, vector<16xi32>], vector<16xf32>,
      %swap3A_728 = arith.constant 4 : i32
      %swap3A_729 = arith.index_cast %swap3A_728 : i32 to index
      %swap3A_730 = arith.constant 32 : index
      %swap3A_731 = tpu.vector_load %arg7[%swap3A_729, %swap3A_730] {strides = array<i32>} : memref<8x64xf32, #tpu.memory_space<vmem>>, vector<16xf32>,
      tpu.vector_store %arg7[%swap3A_729, %swap3A_730], %gather3A_727 {strides = array<i32>} : memref<8x64xf32, #tpu.memory_space<vmem>>, vector<16xf32>,
      %add3A_732 = arith.constant 48 : i32
      %add3A_733 = vector.broadcast %add3A_732 : i32 to vector<16xi32>
      %add3A_734 = arith.addi %iota3A, %add3A_733 : vector<16xi32>
      %gather3A_735 = arith.constant 4 : i32
      %gather3A_736 = arith.constant 0 : i32
      %gather3A_737 = arith.constant 0 : i32
      %gather3A_738 = tpu.memref_slice %arg6[%gather3A_735, %gather3A_736, %gather3A_737] : memref<8x64x128xf32, #tpu.memory_space<vmem>> -> memref<1x64x128xf32, #tpu.memory_space<vmem>>
      %gather3A_739 = tpu.memref_squeeze %gather3A_738 : memref<1x64x128xf32, #tpu.memory_space<vmem>> -> memref<64x128xf32, #tpu.memory_space<vmem>>
      %gather3A_740 = tpu.vector_load_idx %gather3A_739[%add3A_734, %broadcast_in_dim3A_692] : memref<64x128xf32, #tpu.memory_space<vmem>>[vector<16xi32>, vector<16xi32>], vector<16xf32>,
      %swap3A_741 = arith.constant 4 : i32
      %swap3A_742 = arith.index_cast %swap3A_741 : i32 to index
      %swap3A_743 = arith.constant 48 : index
      %swap3A_744 = tpu.vector_load %arg7[%swap3A_742, %swap3A_743] {strides = array<i32>} : memref<8x64xf32, #tpu.memory_space<vmem>>, vector<16xf32>,
      tpu.vector_store %arg7[%swap3A_742, %swap3A_743], %gather3A_740 {strides = array<i32>} : memref<8x64xf32, #tpu.memory_space<vmem>>, vector<16xf32>,
      %dma_wait3A_745 = arith.constant 5 : i32
      %dma_wait3A_746 = arith.constant 0 : i32
      %dma_wait3A_747 = arith.constant 0 : i32
      %dma_wait3A_748 = tpu.memref_slice %arg6[%dma_wait3A_745, %dma_wait3A_746, %dma_wait3A_747] : memref<8x64x128xf32, #tpu.memory_space<vmem>> -> memref<1x64x128xf32, #tpu.memory_space<vmem>>
      %dma_wait3A_749 = tpu.memref_squeeze %dma_wait3A_748 : memref<1x64x128xf32, #tpu.memory_space<vmem>> -> memref<64x128xf32, #tpu.memory_space<vmem>>
      %dma_wait3A_750 = arith.constant 0 : i32
      %dma_wait3A_751 = tpu.memref_slice %arg2[%dma_wait3A_750, %multiple_of3A_232] : memref<64x1000000xf32, #tpu.memory_space<hbm>> -> memref<64x128xf32, #tpu.memory_space<hbm>>
      %dma_wait3A_752 = arith.constant 0 : i32
      %dma_wait3A_753 = arith.constant 0 : i32
      %dma_wait3A_754 = tpu.memref_slice %arg6[%dma_wait3A_745, %dma_wait3A_752, %dma_wait3A_753] : memref<8x64x128xf32, #tpu.memory_space<vmem>> -> memref<1x64x128xf32, #tpu.memory_space<vmem>>
      %dma_wait3A_755 = tpu.memref_squeeze %dma_wait3A_754 : memref<1x64x128xf32, #tpu.memory_space<vmem>> -> memref<64x128xf32, #tpu.memory_space<vmem>>
      %dma_wait3A_756 = arith.constant 0 : i32
      %dma_wait3A_757 = tpu.memref_slice %arg2[%dma_wait3A_756, %multiple_of3A_232] : memref<64x1000000xf32, #tpu.memory_space<hbm>> -> memref<64x128xf32, #tpu.memory_space<hbm>>
      tpu.wait_dma2 semaphore(%arg13 : memref<!tpu.dma_semaphore, #tpu.memory_space<semaphore_mem>>) src(%dma_wait3A_757 : memref<64x128xf32, #tpu.memory_space<hbm>>) dst(%dma_wait3A_755 : memref<64x128xf32, #tpu.memory_space<vmem>>)
      %slice3A_758 = vector.extract_strided_slice %get3A_5 {offsets = [5], sizes = [1], strides = [1]} : vector<16xi32> to vector<1xi32>
      %squeeze3A_759 = vector.extract %slice3A_758[0] : i32 from vector<1xi32>
      %jit3A_760 = arith.constant 128 : i32
      %eq3A_761 = arith.constant 0 : i32
      %eq3A_762 = arith.cmpi eq, %jit3A_760, %eq3A_761 : i32
      %jit3A_763 = arith.constant 1 : i32
      %select_n3A_764 = arith.select %eq3A_762, %jit3A_763, %jit3A_760 : i32
      %rem3A_765 = arith.remsi %squeeze3A_759, %select_n3A_764 : i32
      %ne3A_766 = arith.constant 0 : i32
      %ne3A_767 = arith.cmpi ne, %rem3A_765, %ne3A_766 : i32
      %lt3A_768 = arith.constant 0 : i32
      %lt3A_769 = arith.cmpi slt, %rem3A_765, %lt3A_768 : i32
      %lt3A_770 = arith.constant 0 : i32
      %lt3A_771 = arith.cmpi slt, %select_n3A_764, %lt3A_770 : i32
      %ne3A_772 = arith.xori %lt3A_769, %lt3A_771 : i1
      %and3A_773 = arith.andi %ne3A_772, %ne3A_767 : i1
      %add3A_774 = arith.addi %rem3A_765, %select_n3A_764 : i32
      %select_n3A_775 = arith.select %and3A_773, %add3A_774, %rem3A_765 : i32
      %broadcast_in_dim3A_776 = vector.broadcast %select_n3A_775 : i32 to vector<16xi32>
      %add3A_777 = arith.constant 0 : i32
      %add3A_778 = vector.broadcast %add3A_777 : i32 to vector<16xi32>
      %add3A_779 = arith.addi %iota3A, %add3A_778 : vector<16xi32>
      %gather3A_780 = arith.constant 5 : i32
      %gather3A_781 = arith.constant 0 : i32
      %gather3A_782 = arith.constant 0 : i32
      %gather3A_783 = tpu.memref_slice %arg6[%gather3A_780, %gather3A_781, %gather3A_782] : memref<8x64x128xf32, #tpu.memory_space<vmem>> -> memref<1x64x128xf32, #tpu.memory_space<vmem>>
      %gather3A_784 = tpu.memref_squeeze %gather3A_783 : memref<1x64x128xf32, #tpu.memory_space<vmem>> -> memref<64x128xf32, #tpu.memory_space<vmem>>
      %gather3A_785 = tpu.vector_load_idx %gather3A_784[%add3A_779, %broadcast_in_dim3A_776] : memref<64x128xf32, #tpu.memory_space<vmem>>[vector<16xi32>, vector<16xi32>], vector<16xf32>,
      %swap3A_786 = arith.constant 5 : i32
      %swap3A_787 = arith.index_cast %swap3A_786 : i32 to index
      %swap3A_788 = arith.constant 0 : index
      %swap3A_789 = tpu.vector_load %arg7[%swap3A_787, %swap3A_788] {strides = array<i32>} : memref<8x64xf32, #tpu.memory_space<vmem>>, vector<16xf32>,
      tpu.vector_store %arg7[%swap3A_787, %swap3A_788], %gather3A_785 {strides = array<i32>} : memref<8x64xf32, #tpu.memory_space<vmem>>, vector<16xf32>,
      %add3A_790 = arith.constant 16 : i32
      %add3A_791 = vector.broadcast %add3A_790 : i32 to vector<16xi32>
      %add3A_792 = arith.addi %iota3A, %add3A_791 : vector<16xi32>
      %gather3A_793 = arith.constant 5 : i32
      %gather3A_794 = arith.constant 0 : i32
      %gather3A_795 = arith.constant 0 : i32
      %gather3A_796 = tpu.memref_slice %arg6[%gather3A_793, %gather3A_794, %gather3A_795] : memref<8x64x128xf32, #tpu.memory_space<vmem>> -> memref<1x64x128xf32, #tpu.memory_space<vmem>>
      %gather3A_797 = tpu.memref_squeeze %gather3A_796 : memref<1x64x128xf32, #tpu.memory_space<vmem>> -> memref<64x128xf32, #tpu.memory_space<vmem>>
      %gather3A_798 = tpu.vector_load_idx %gather3A_797[%add3A_792, %broadcast_in_dim3A_776] : memref<64x128xf32, #tpu.memory_space<vmem>>[vector<16xi32>, vector<16xi32>], vector<16xf32>,
      %swap3A_799 = arith.constant 5 : i32
      %swap3A_800 = arith.index_cast %swap3A_799 : i32 to index
      %swap3A_801 = arith.constant 16 : index
      %swap3A_802 = tpu.vector_load %arg7[%swap3A_800, %swap3A_801] {strides = array<i32>} : memref<8x64xf32, #tpu.memory_space<vmem>>, vector<16xf32>,
      tpu.vector_store %arg7[%swap3A_800, %swap3A_801], %gather3A_798 {strides = array<i32>} : memref<8x64xf32, #tpu.memory_space<vmem>>, vector<16xf32>,
      %add3A_803 = arith.constant 32 : i32
      %add3A_804 = vector.broadcast %add3A_803 : i32 to vector<16xi32>
      %add3A_805 = arith.addi %iota3A, %add3A_804 : vector<16xi32>
      %gather3A_806 = arith.constant 5 : i32
      %gather3A_807 = arith.constant 0 : i32
      %gather3A_808 = arith.constant 0 : i32
      %gather3A_809 = tpu.memref_slice %arg6[%gather3A_806, %gather3A_807, %gather3A_808] : memref<8x64x128xf32, #tpu.memory_space<vmem>> -> memref<1x64x128xf32, #tpu.memory_space<vmem>>
      %gather3A_810 = tpu.memref_squeeze %gather3A_809 : memref<1x64x128xf32, #tpu.memory_space<vmem>> -> memref<64x128xf32, #tpu.memory_space<vmem>>
      %gather3A_811 = tpu.vector_load_idx %gather3A_810[%add3A_805, %broadcast_in_dim3A_776] : memref<64x128xf32, #tpu.memory_space<vmem>>[vector<16xi32>, vector<16xi32>], vector<16xf32>,
      %swap3A_812 = arith.constant 5 : i32
      %swap3A_813 = arith.index_cast %swap3A_812 : i32 to index
      %swap3A_814 = arith.constant 32 : index
      %swap3A_815 = tpu.vector_load %arg7[%swap3A_813, %swap3A_814] {strides = array<i32>} : memref<8x64xf32, #tpu.memory_space<vmem>>, vector<16xf32>,
      tpu.vector_store %arg7[%swap3A_813, %swap3A_814], %gather3A_811 {strides = array<i32>} : memref<8x64xf32, #tpu.memory_space<vmem>>, vector<16xf32>,
      %add3A_816 = arith.constant 48 : i32
      %add3A_817 = vector.broadcast %add3A_816 : i32 to vector<16xi32>
      %add3A_818 = arith.addi %iota3A, %add3A_817 : vector<16xi32>
      %gather3A_819 = arith.constant 5 : i32
      %gather3A_820 = arith.constant 0 : i32
      %gather3A_821 = arith.constant 0 : i32
      %gather3A_822 = tpu.memref_slice %arg6[%gather3A_819, %gather3A_820, %gather3A_821] : memref<8x64x128xf32, #tpu.memory_space<vmem>> -> memref<1x64x128xf32, #tpu.memory_space<vmem>>
      %gather3A_823 = tpu.memref_squeeze %gather3A_822 : memref<1x64x128xf32, #tpu.memory_space<vmem>> -> memref<64x128xf32, #tpu.memory_space<vmem>>
      %gather3A_824 = tpu.vector_load_idx %gather3A_823[%add3A_818, %broadcast_in_dim3A_776] : memref<64x128xf32, #tpu.memory_space<vmem>>[vector<16xi32>, vector<16xi32>], vector<16xf32>,
      %swap3A_825 = arith.constant 5 : i32
      %swap3A_826 = arith.index_cast %swap3A_825 : i32 to index
      %swap3A_827 = arith.constant 48 : index
      %swap3A_828 = tpu.vector_load %arg7[%swap3A_826, %swap3A_827] {strides = array<i32>} : memref<8x64xf32, #tpu.memory_space<vmem>>, vector<16xf32>,
      tpu.vector_store %arg7[%swap3A_826, %swap3A_827], %gather3A_824 {strides = array<i32>} : memref<8x64xf32, #tpu.memory_space<vmem>>, vector<16xf32>,
      %dma_wait3A_829 = arith.constant 6 : i32
      %dma_wait3A_830 = arith.constant 0 : i32
      %dma_wait3A_831 = arith.constant 0 : i32
      %dma_wait3A_832 = tpu.memref_slice %arg6[%dma_wait3A_829, %dma_wait3A_830, %dma_wait3A_831] : memref<8x64x128xf32, #tpu.memory_space<vmem>> -> memref<1x64x128xf32, #tpu.memory_space<vmem>>
      %dma_wait3A_833 = tpu.memref_squeeze %dma_wait3A_832 : memref<1x64x128xf32, #tpu.memory_space<vmem>> -> memref<64x128xf32, #tpu.memory_space<vmem>>
      %dma_wait3A_834 = arith.constant 0 : i32
      %dma_wait3A_835 = tpu.memref_slice %arg2[%dma_wait3A_834, %multiple_of3A_274] : memref<64x1000000xf32, #tpu.memory_space<hbm>> -> memref<64x128xf32, #tpu.memory_space<hbm>>
      %dma_wait3A_836 = arith.constant 0 : i32
      %dma_wait3A_837 = arith.constant 0 : i32
      %dma_wait3A_838 = tpu.memref_slice %arg6[%dma_wait3A_829, %dma_wait3A_836, %dma_wait3A_837] : memref<8x64x128xf32, #tpu.memory_space<vmem>> -> memref<1x64x128xf32, #tpu.memory_space<vmem>>
      %dma_wait3A_839 = tpu.memref_squeeze %dma_wait3A_838 : memref<1x64x128xf32, #tpu.memory_space<vmem>> -> memref<64x128xf32, #tpu.memory_space<vmem>>
      %dma_wait3A_840 = arith.constant 0 : i32
      %dma_wait3A_841 = tpu.memref_slice %arg2[%dma_wait3A_840, %multiple_of3A_274] : memref<64x1000000xf32, #tpu.memory_space<hbm>> -> memref<64x128xf32, #tpu.memory_space<hbm>>
      tpu.wait_dma2 semaphore(%arg14 : memref<!tpu.dma_semaphore, #tpu.memory_space<semaphore_mem>>) src(%dma_wait3A_841 : memref<64x128xf32, #tpu.memory_space<hbm>>) dst(%dma_wait3A_839 : memref<64x128xf32, #tpu.memory_space<vmem>>)
      %slice3A_842 = vector.extract_strided_slice %get3A_5 {offsets = [6], sizes = [1], strides = [1]} : vector<16xi32> to vector<1xi32>
      %squeeze3A_843 = vector.extract %slice3A_842[0] : i32 from vector<1xi32>
      %jit3A_844 = arith.constant 128 : i32
      %eq3A_845 = arith.constant 0 : i32
      %eq3A_846 = arith.cmpi eq, %jit3A_844, %eq3A_845 : i32
      %jit3A_847 = arith.constant 1 : i32
      %select_n3A_848 = arith.select %eq3A_846, %jit3A_847, %jit3A_844 : i32
      %rem3A_849 = arith.remsi %squeeze3A_843, %select_n3A_848 : i32
      %ne3A_850 = arith.constant 0 : i32
      %ne3A_851 = arith.cmpi ne, %rem3A_849, %ne3A_850 : i32
      %lt3A_852 = arith.constant 0 : i32
      %lt3A_853 = arith.cmpi slt, %rem3A_849, %lt3A_852 : i32
      %lt3A_854 = arith.constant 0 : i32
      %lt3A_855 = arith.cmpi slt, %select_n3A_848, %lt3A_854 : i32
      %ne3A_856 = arith.xori %lt3A_853, %lt3A_855 : i1
      %and3A_857 = arith.andi %ne3A_856, %ne3A_851 : i1
      %add3A_858 = arith.addi %rem3A_849, %select_n3A_848 : i32
      %select_n3A_859 = arith.select %and3A_857, %add3A_858, %rem3A_849 : i32
      %broadcast_in_dim3A_860 = vector.broadcast %select_n3A_859 : i32 to vector<16xi32>
      %add3A_861 = arith.constant 0 : i32
      %add3A_862 = vector.broadcast %add3A_861 : i32 to vector<16xi32>
      %add3A_863 = arith.addi %iota3A, %add3A_862 : vector<16xi32>
      %gather3A_864 = arith.constant 6 : i32
      %gather3A_865 = arith.constant 0 : i32
      %gather3A_866 = arith.constant 0 : i32
      %gather3A_867 = tpu.memref_slice %arg6[%gather3A_864, %gather3A_865, %gather3A_866] : memref<8x64x128xf32, #tpu.memory_space<vmem>> -> memref<1x64x128xf32, #tpu.memory_space<vmem>>
      %gather3A_868 = tpu.memref_squeeze %gather3A_867 : memref<1x64x128xf32, #tpu.memory_space<vmem>> -> memref<64x128xf32, #tpu.memory_space<vmem>>
      %gather3A_869 = tpu.vector_load_idx %gather3A_868[%add3A_863, %broadcast_in_dim3A_860] : memref<64x128xf32, #tpu.memory_space<vmem>>[vector<16xi32>, vector<16xi32>], vector<16xf32>,
      %swap3A_870 = arith.constant 6 : i32
      %swap3A_871 = arith.index_cast %swap3A_870 : i32 to index
      %swap3A_872 = arith.constant 0 : index
      %swap3A_873 = tpu.vector_load %arg7[%swap3A_871, %swap3A_872] {strides = array<i32>} : memref<8x64xf32, #tpu.memory_space<vmem>>, vector<16xf32>,
      tpu.vector_store %arg7[%swap3A_871, %swap3A_872], %gather3A_869 {strides = array<i32>} : memref<8x64xf32, #tpu.memory_space<vmem>>, vector<16xf32>,
      %add3A_874 = arith.constant 16 : i32
      %add3A_875 = vector.broadcast %add3A_874 : i32 to vector<16xi32>
      %add3A_876 = arith.addi %iota3A, %add3A_875 : vector<16xi32>
      %gather3A_877 = arith.constant 6 : i32
      %gather3A_878 = arith.constant 0 : i32
      %gather3A_879 = arith.constant 0 : i32
      %gather3A_880 = tpu.memref_slice %arg6[%gather3A_877, %gather3A_878, %gather3A_879] : memref<8x64x128xf32, #tpu.memory_space<vmem>> -> memref<1x64x128xf32, #tpu.memory_space<vmem>>
      %gather3A_881 = tpu.memref_squeeze %gather3A_880 : memref<1x64x128xf32, #tpu.memory_space<vmem>> -> memref<64x128xf32, #tpu.memory_space<vmem>>
      %gather3A_882 = tpu.vector_load_idx %gather3A_881[%add3A_876, %broadcast_in_dim3A_860] : memref<64x128xf32, #tpu.memory_space<vmem>>[vector<16xi32>, vector<16xi32>], vector<16xf32>,
      %swap3A_883 = arith.constant 6 : i32
      %swap3A_884 = arith.index_cast %swap3A_883 : i32 to index
      %swap3A_885 = arith.constant 16 : index
      %swap3A_886 = tpu.vector_load %arg7[%swap3A_884, %swap3A_885] {strides = array<i32>} : memref<8x64xf32, #tpu.memory_space<vmem>>, vector<16xf32>,
      tpu.vector_store %arg7[%swap3A_884, %swap3A_885], %gather3A_882 {strides = array<i32>} : memref<8x64xf32, #tpu.memory_space<vmem>>, vector<16xf32>,
      %add3A_887 = arith.constant 32 : i32
      %add3A_888 = vector.broadcast %add3A_887 : i32 to vector<16xi32>
      %add3A_889 = arith.addi %iota3A, %add3A_888 : vector<16xi32>
      %gather3A_890 = arith.constant 6 : i32
      %gather3A_891 = arith.constant 0 : i32
      %gather3A_892 = arith.constant 0 : i32
      %gather3A_893 = tpu.memref_slice %arg6[%gather3A_890, %gather3A_891, %gather3A_892] : memref<8x64x128xf32, #tpu.memory_space<vmem>> -> memref<1x64x128xf32, #tpu.memory_space<vmem>>
      %gather3A_894 = tpu.memref_squeeze %gather3A_893 : memref<1x64x128xf32, #tpu.memory_space<vmem>> -> memref<64x128xf32, #tpu.memory_space<vmem>>
      %gather3A_895 = tpu.vector_load_idx %gather3A_894[%add3A_889, %broadcast_in_dim3A_860] : memref<64x128xf32, #tpu.memory_space<vmem>>[vector<16xi32>, vector<16xi32>], vector<16xf32>,
      %swap3A_896 = arith.constant 6 : i32
      %swap3A_897 = arith.index_cast %swap3A_896 : i32 to index
      %swap3A_898 = arith.constant 32 : index
      %swap3A_899 = tpu.vector_load %arg7[%swap3A_897, %swap3A_898] {strides = array<i32>} : memref<8x64xf32, #tpu.memory_space<vmem>>, vector<16xf32>,
      tpu.vector_store %arg7[%swap3A_897, %swap3A_898], %gather3A_895 {strides = array<i32>} : memref<8x64xf32, #tpu.memory_space<vmem>>, vector<16xf32>,
      %add3A_900 = arith.constant 48 : i32
      %add3A_901 = vector.broadcast %add3A_900 : i32 to vector<16xi32>
      %add3A_902 = arith.addi %iota3A, %add3A_901 : vector<16xi32>
      %gather3A_903 = arith.constant 6 : i32
      %gather3A_904 = arith.constant 0 : i32
      %gather3A_905 = arith.constant 0 : i32
      %gather3A_906 = tpu.memref_slice %arg6[%gather3A_903, %gather3A_904, %gather3A_905] : memref<8x64x128xf32, #tpu.memory_space<vmem>> -> memref<1x64x128xf32, #tpu.memory_space<vmem>>
      %gather3A_907 = tpu.memref_squeeze %gather3A_906 : memref<1x64x128xf32, #tpu.memory_space<vmem>> -> memref<64x128xf32, #tpu.memory_space<vmem>>
      %gather3A_908 = tpu.vector_load_idx %gather3A_907[%add3A_902, %broadcast_in_dim3A_860] : memref<64x128xf32, #tpu.memory_space<vmem>>[vector<16xi32>, vector<16xi32>], vector<16xf32>,
      %swap3A_909 = arith.constant 6 : i32
      %swap3A_910 = arith.index_cast %swap3A_909 : i32 to index
      %swap3A_911 = arith.constant 48 : index
      %swap3A_912 = tpu.vector_load %arg7[%swap3A_910, %swap3A_911] {strides = array<i32>} : memref<8x64xf32, #tpu.memory_space<vmem>>, vector<16xf32>,
      tpu.vector_store %arg7[%swap3A_910, %swap3A_911], %gather3A_908 {strides = array<i32>} : memref<8x64xf32, #tpu.memory_space<vmem>>, vector<16xf32>,
      %dma_wait3A_913 = arith.constant 7 : i32
      %dma_wait3A_914 = arith.constant 0 : i32
      %dma_wait3A_915 = arith.constant 0 : i32
      %dma_wait3A_916 = tpu.memref_slice %arg6[%dma_wait3A_913, %dma_wait3A_914, %dma_wait3A_915] : memref<8x64x128xf32, #tpu.memory_space<vmem>> -> memref<1x64x128xf32, #tpu.memory_space<vmem>>
      %dma_wait3A_917 = tpu.memref_squeeze %dma_wait3A_916 : memref<1x64x128xf32, #tpu.memory_space<vmem>> -> memref<64x128xf32, #tpu.memory_space<vmem>>
      %dma_wait3A_918 = arith.constant 0 : i32
      %dma_wait3A_919 = tpu.memref_slice %arg2[%dma_wait3A_918, %multiple_of3A_316] : memref<64x1000000xf32, #tpu.memory_space<hbm>> -> memref<64x128xf32, #tpu.memory_space<hbm>>
      %dma_wait3A_920 = arith.constant 0 : i32
      %dma_wait3A_921 = arith.constant 0 : i32
      %dma_wait3A_922 = tpu.memref_slice %arg6[%dma_wait3A_913, %dma_wait3A_920, %dma_wait3A_921] : memref<8x64x128xf32, #tpu.memory_space<vmem>> -> memref<1x64x128xf32, #tpu.memory_space<vmem>>
      %dma_wait3A_923 = tpu.memref_squeeze %dma_wait3A_922 : memref<1x64x128xf32, #tpu.memory_space<vmem>> -> memref<64x128xf32, #tpu.memory_space<vmem>>
      %dma_wait3A_924 = arith.constant 0 : i32
      %dma_wait3A_925 = tpu.memref_slice %arg2[%dma_wait3A_924, %multiple_of3A_316] : memref<64x1000000xf32, #tpu.memory_space<hbm>> -> memref<64x128xf32, #tpu.memory_space<hbm>>
      tpu.wait_dma2 semaphore(%arg15 : memref<!tpu.dma_semaphore, #tpu.memory_space<semaphore_mem>>) src(%dma_wait3A_925 : memref<64x128xf32, #tpu.memory_space<hbm>>) dst(%dma_wait3A_923 : memref<64x128xf32, #tpu.memory_space<vmem>>)
      %slice3A_926 = vector.extract_strided_slice %get3A_5 {offsets = [7], sizes = [1], strides = [1]} : vector<16xi32> to vector<1xi32>
      %squeeze3A_927 = vector.extract %slice3A_926[0] : i32 from vector<1xi32>
      %jit3A_928 = arith.constant 128 : i32
      %eq3A_929 = arith.constant 0 : i32
      %eq3A_930 = arith.cmpi eq, %jit3A_928, %eq3A_929 : i32
      %jit3A_931 = arith.constant 1 : i32
      %select_n3A_932 = arith.select %eq3A_930, %jit3A_931, %jit3A_928 : i32
      %rem3A_933 = arith.remsi %squeeze3A_927, %select_n3A_932 : i32
      %ne3A_934 = arith.constant 0 : i32
      %ne3A_935 = arith.cmpi ne, %rem3A_933, %ne3A_934 : i32
      %lt3A_936 = arith.constant 0 : i32
      %lt3A_937 = arith.cmpi slt, %rem3A_933, %lt3A_936 : i32
      %lt3A_938 = arith.constant 0 : i32
      %lt3A_939 = arith.cmpi slt, %select_n3A_932, %lt3A_938 : i32
      %ne3A_940 = arith.xori %lt3A_937, %lt3A_939 : i1
      %and3A_941 = arith.andi %ne3A_940, %ne3A_935 : i1
      %add3A_942 = arith.addi %rem3A_933, %select_n3A_932 : i32
      %select_n3A_943 = arith.select %and3A_941, %add3A_942, %rem3A_933 : i32
      %broadcast_in_dim3A_944 = vector.broadcast %select_n3A_943 : i32 to vector<16xi32>
      %add3A_945 = arith.constant 0 : i32
      %add3A_946 = vector.broadcast %add3A_945 : i32 to vector<16xi32>
      %add3A_947 = arith.addi %iota3A, %add3A_946 : vector<16xi32>
      %gather3A_948 = arith.constant 7 : i32
      %gather3A_949 = arith.constant 0 : i32
      %gather3A_950 = arith.constant 0 : i32
      %gather3A_951 = tpu.memref_slice %arg6[%gather3A_948, %gather3A_949, %gather3A_950] : memref<8x64x128xf32, #tpu.memory_space<vmem>> -> memref<1x64x128xf32, #tpu.memory_space<vmem>>
      %gather3A_952 = tpu.memref_squeeze %gather3A_951 : memref<1x64x128xf32, #tpu.memory_space<vmem>> -> memref<64x128xf32, #tpu.memory_space<vmem>>
      %gather3A_953 = tpu.vector_load_idx %gather3A_952[%add3A_947, %broadcast_in_dim3A_944] : memref<64x128xf32, #tpu.memory_space<vmem>>[vector<16xi32>, vector<16xi32>], vector<16xf32>,
      %swap3A_954 = arith.constant 7 : i32
      %swap3A_955 = arith.index_cast %swap3A_954 : i32 to index
      %swap3A_956 = arith.constant 0 : index
      %swap3A_957 = tpu.vector_load %arg7[%swap3A_955, %swap3A_956] {strides = array<i32>} : memref<8x64xf32, #tpu.memory_space<vmem>>, vector<16xf32>,
      tpu.vector_store %arg7[%swap3A_955, %swap3A_956], %gather3A_953 {strides = array<i32>} : memref<8x64xf32, #tpu.memory_space<vmem>>, vector<16xf32>,
      %add3A_958 = arith.constant 16 : i32
      %add3A_959 = vector.broadcast %add3A_958 : i32 to vector<16xi32>
      %add3A_960 = arith.addi %iota3A, %add3A_959 : vector<16xi32>
      %gather3A_961 = arith.constant 7 : i32
      %gather3A_962 = arith.constant 0 : i32
      %gather3A_963 = arith.constant 0 : i32
      %gather3A_964 = tpu.memref_slice %arg6[%gather3A_961, %gather3A_962, %gather3A_963] : memref<8x64x128xf32, #tpu.memory_space<vmem>> -> memref<1x64x128xf32, #tpu.memory_space<vmem>>
      %gather3A_965 = tpu.memref_squeeze %gather3A_964 : memref<1x64x128xf32, #tpu.memory_space<vmem>> -> memref<64x128xf32, #tpu.memory_space<vmem>>
      %gather3A_966 = tpu.vector_load_idx %gather3A_965[%add3A_960, %broadcast_in_dim3A_944] : memref<64x128xf32, #tpu.memory_space<vmem>>[vector<16xi32>, vector<16xi32>], vector<16xf32>,
      %swap3A_967 = arith.constant 7 : i32
      %swap3A_968 = arith.index_cast %swap3A_967 : i32 to index
      %swap3A_969 = arith.constant 16 : index
      %swap3A_970 = tpu.vector_load %arg7[%swap3A_968, %swap3A_969] {strides = array<i32>} : memref<8x64xf32, #tpu.memory_space<vmem>>, vector<16xf32>,
      tpu.vector_store %arg7[%swap3A_968, %swap3A_969], %gather3A_966 {strides = array<i32>} : memref<8x64xf32, #tpu.memory_space<vmem>>, vector<16xf32>,
      %add3A_971 = arith.constant 32 : i32
      %add3A_972 = vector.broadcast %add3A_971 : i32 to vector<16xi32>
      %add3A_973 = arith.addi %iota3A, %add3A_972 : vector<16xi32>
      %gather3A_974 = arith.constant 7 : i32
      %gather3A_975 = arith.constant 0 : i32
      %gather3A_976 = arith.constant 0 : i32
      %gather3A_977 = tpu.memref_slice %arg6[%gather3A_974, %gather3A_975, %gather3A_976] : memref<8x64x128xf32, #tpu.memory_space<vmem>> -> memref<1x64x128xf32, #tpu.memory_space<vmem>>
      %gather3A_978 = tpu.memref_squeeze %gather3A_977 : memref<1x64x128xf32, #tpu.memory_space<vmem>> -> memref<64x128xf32, #tpu.memory_space<vmem>>
      %gather3A_979 = tpu.vector_load_idx %gather3A_978[%add3A_973, %broadcast_in_dim3A_944] : memref<64x128xf32, #tpu.memory_space<vmem>>[vector<16xi32>, vector<16xi32>], vector<16xf32>,
      %swap3A_980 = arith.constant 7 : i32
      %swap3A_981 = arith.index_cast %swap3A_980 : i32 to index
      %swap3A_982 = arith.constant 32 : index
      %swap3A_983 = tpu.vector_load %arg7[%swap3A_981, %swap3A_982] {strides = array<i32>} : memref<8x64xf32, #tpu.memory_space<vmem>>, vector<16xf32>,
      tpu.vector_store %arg7[%swap3A_981, %swap3A_982], %gather3A_979 {strides = array<i32>} : memref<8x64xf32, #tpu.memory_space<vmem>>, vector<16xf32>,
      %add3A_984 = arith.constant 48 : i32
      %add3A_985 = vector.broadcast %add3A_984 : i32 to vector<16xi32>
      %add3A_986 = arith.addi %iota3A, %add3A_985 : vector<16xi32>
      %gather3A_987 = arith.constant 7 : i32
      %gather3A_988 = arith.constant 0 : i32
      %gather3A_989 = arith.constant 0 : i32
      %gather3A_990 = tpu.memref_slice %arg6[%gather3A_987, %gather3A_988, %gather3A_989] : memref<8x64x128xf32, #tpu.memory_space<vmem>> -> memref<1x64x128xf32, #tpu.memory_space<vmem>>
      %gather3A_991 = tpu.memref_squeeze %gather3A_990 : memref<1x64x128xf32, #tpu.memory_space<vmem>> -> memref<64x128xf32, #tpu.memory_space<vmem>>
      %gather3A_992 = tpu.vector_load_idx %gather3A_991[%add3A_986, %broadcast_in_dim3A_944] : memref<64x128xf32, #tpu.memory_space<vmem>>[vector<16xi32>, vector<16xi32>], vector<16xf32>,
      %swap3A_993 = arith.constant 7 : i32
      %swap3A_994 = arith.index_cast %swap3A_993 : i32 to index
      %swap3A_995 = arith.constant 48 : index
      %swap3A_996 = tpu.vector_load %arg7[%swap3A_994, %swap3A_995] {strides = array<i32>} : memref<8x64xf32, #tpu.memory_space<vmem>>, vector<16xf32>,
      tpu.vector_store %arg7[%swap3A_994, %swap3A_995], %gather3A_992 {strides = array<i32>} : memref<8x64xf32, #tpu.memory_space<vmem>>, vector<16xf32>,
      "tpu.region"() ({
        %run_scoped3A = tpu.sem_alloc : memref<!tpu.dma_semaphore, #tpu.memory_space<semaphore_mem>>
        %dma_start3A_997 = arith.constant 0 : i32
        %dma_start3A_998 = tpu.memref_slice %arg4[%mul3A_4, %dma_start3A_997] : memref<200x64xf32, #tpu.memory_space<hbm>> -> memref<8x64xf32, #tpu.memory_space<hbm>>
        %dma_start3A_999 = arith.constant 0 : i32
        %dma_start3A_1000 = tpu.memref_slice %arg4[%mul3A_4, %dma_start3A_999] : memref<200x64xf32, #tpu.memory_space<hbm>> -> memref<8x64xf32, #tpu.memory_space<hbm>>
        tpu.enqueue_dma source(%arg7 : memref<8x64xf32, #tpu.memory_space<vmem>>) target(%dma_start3A_1000 : memref<8x64xf32, #tpu.memory_space<hbm>>) target_semaphore(%run_scoped3A : memref<!tpu.dma_semaphore, #tpu.memory_space<semaphore_mem>>)
        %dma_wait3A_1001 = arith.constant 0 : i32
        %dma_wait3A_1002 = tpu.memref_slice %arg4[%mul3A_4, %dma_wait3A_1001] : memref<200x64xf32, #tpu.memory_space<hbm>> -> memref<8x64xf32, #tpu.memory_space<hbm>>
        %dma_wait3A_1003 = arith.constant 0 : i32
        %dma_wait3A_1004 = tpu.memref_slice %arg4[%mul3A_4, %dma_wait3A_1003] : memref<200x64xf32, #tpu.memory_space<hbm>> -> memref<8x64xf32, #tpu.memory_space<hbm>>
        tpu.wait_dma2 semaphore(%run_scoped3A : memref<!tpu.dma_semaphore, #tpu.memory_space<semaphore_mem>>) src(%arg7 : memref<8x64xf32, #tpu.memory_space<vmem>>) dst(%dma_wait3A_1004 : memref<8x64xf32, #tpu.memory_space<hbm>>)
        tpu.yield
      }) : () -> ()
    } else {
    }
    return
  }
}

</mosaic_0001>

<sc_bundles>
// kernel: kernel.3.cloned.1.call-start
scs
__scs_entry_jumppad:
0x0: {  	(pc) =	sbr.rel $0x88, $3  }
0x1: {  	(tag) =	ssettag $0x0;
	lr =	simm.s32 $0x1  }
0x2: {  	[smem:$0x3F9F] =	sst lr;
	_ =	strace $0xD0000000  }
0x3: {  	_ = 	snop  }
0x4: {  	_ = 	snop  }
0x5: {  	_ = 	snop  }
0x6: {  	_ = 	snop  }
0x7: {  	_ = 	snop  }
__scs_overlays_trampoline_lowered:
0x8: {  	[smem:$0x3FAE] =	sst s0  }
0x9: {  	[smem:$0x3FAF] =	sst s1  }
0xa: {  	[smem:$0x3FB0] =	sst s2  }
0xb: {  	[smem:$0x3FB1] =	sst s3  }
0xc: {  	[smem:$0x3FB2] =	sst s4  }
0xd: {  	[smem:$0x3FB3] =	sst s5  }
0xe: {  	[smem:$0x3FB4] =	sst s6  }
0xf: {  	[smem:$0x3FB5] =	sst s7  }
0x10: {  	[smem:$0x3FB6] =	sst s8  }
0x11: {  	[smem:$0x3FB7] =	sst s9;
	s0 =	simm.s32 @!p0 $0x0  }
0x12: {  	s1 =	sld [smem:$0x3F9D];
	s0 =	simm.s32 @p0 $0x1  }
0x13: {  	[smem:$0x3FB8] =	sst s0;
	s0 =	simm.s32 @!p1 $0x0  }
0x14: {  	s2 =	sld [smem:$0x3F9C];
	s0 =	simm.s32 @p1 $0x1  }
0x15: {  	[smem:$0x3FB9] =	sst s0;
	s0 =	simm.s32 @!p2 $0x0  }
0x16: {  	s3 =	sld [smem:$0x3FDB];
	s0 =	simm.s32 @p2 $0x1  }
0x17: {  	s4 =	simm.s32 $0x1BF5;
	[smem:$0x3FBB] =	sst s0  }
0x18: {  	s0 =	sld [smem:$0x3F9E];
	_ =	swait.ge [sflag:s4], $0x0  }
0x19: {  	s7 =	sld [smem:$0x3F9F]  }
0x1a: {  	s8 =	sadd.s32 $0xFFFFE003, lr  }
0x1b: {  	s9 =	sadd.s32 $0xFFFFFEF7, lr;
	s5 =	simm.s32 $0xFFFFFFFF;
	p2 =	slt.u32 s8, $0xFFFFF086  }
0x1c: {  	p1 =	slt.u32 s9, $0xF7A;
	s5 =	simm.s32 @!p2 $0x0  }
0x1d: {  	s5 =	simm.s32 @p1 $0x1;
	p0 =	seq.s32 s7, s2  }
0x1e: {  	s7 =	smul.u32 @!p0 $0xF7A, s2;
	p2 =	seq.s32 @!p0 s5, $0x0  }
0x1f: {  	s9 =	smul.u32 $0xF7A, s1;
	s8 =	simm.s32 @!p0 $0x1BF5;
	p2 =	por !p2, p0  }
0x20: {  	[sflag:s8] =	ssyncset.s32 @!p0 $0xFFFFF086;
	s6 =	sadd.s32 @!p0 s3, s7;
	s7 =	simm.s32 @!p0 $0x108  }
0x21: {  	s3 =	sadd.s32 s3, s9;
	s6 =	sadd.s32 @!p0 $0x88, s6;
	s7 =	simm.s32 @p2 $0x1082  }
0x22: {  	[simem:s7], [sflag:s8] =	dma.local @!p0 [hbm:s6], $0xF7A  }
0x23: {  	s9 =	sor.u32 $0xD0000000, s2;
	s6 =	simm.s32 $0x108;
	_ =	swait.ge @!p0 [sflag:s8], $0x0  }
0x24: {  	s3 =	sadd.s32 $0x88, s3;
	s6 =	simm.s32 @!p1 $0x1082;
	[sflag:s4] =	ssyncset.s32 $0xFFFFF086  }
0x25: {  	[simem:s6], [sflag:s4] =	dma.local [hbm:s3], $0xF7A  }
0x26: {  	[smem:$0x3F9F] =	sst s1;
	(tag) =	ssettag s2;
	_ =	strace s9  }
0x27: {  	s1 =	sld [smem:$0x3FAF]  }
0x28: {  	s2 =	sld [smem:$0x3FB0]  }
0x29: {  	s4 =	sld [smem:$0x3FB2]  }
0x2a: {  	p0 =	seq.s32 s5, $0x0;
	s5 =	sld [smem:$0x3FB3]  }
0x2b: {  	s6 =	sld [smem:$0x3FB4]  }
0x2c: {  	s7 =	sld [smem:$0x3FB5]  }
0x2d: {  	s3 =	simm.s32 $0x108;
	s8 =	sld [smem:$0x3FB6]  }
0x2e: {  	s3 =	simm.s32 @!p0 $0x1082;
	s9 =	sld [smem:$0x3FB7]  }
0x2f: {  	lr =	sadd.s32 s0, s3;
	s0 =	sld [smem:$0x3FAE]  }
0x30: {  	s3 =	sld [smem:$0x3FB1]  }
0x31: {  	[smem:$0x3FBA] =	sst s10  }
0x32: {  	s10 =	sld [smem:$0x3FB8];
	_ =	sdelay $0x3  }
0x33: {  	p0 =	seq.s32 s10, $0x1;
	s10 =	sld [smem:$0x3FBA];
	_ =	sdelay $0x3  }
0x34: {  	[smem:$0x3FBA] =	sst s10  }
0x35: {  	s10 =	sld [smem:$0x3FB9];
	_ =	sdelay $0x3  }
0x36: {  	p1 =	seq.s32 s10, $0x1;
	s10 =	sld [smem:$0x3FBA];
	_ =	sdelay $0x3  }
0x37: {  	[smem:$0x3FBA] =	sst s10  }
0x38: {  	s10 =	sld [smem:$0x3FBB]  }
0x39: {  	_ = 	snop;
	(pc) =	sbr.ind lr, $3  }
0x3a: {  	_ = 	snop  }
0x3b: {  	_ = 	snop  }
0x3c: {  	p2 =	seq.s32 s10, $0x1;
	s10 =	sld [smem:$0x3FBA]  }
0x3d: {  	_ =	shalt  }
0x3e: {  	_ =	shalt  }
0x3f: {  	_ =	shalt  }
0x40: {  	_ =	shalt  }
0x41: {  	_ =	shalt  }
0x42: {  	_ =	shalt  }
0x43: {  	_ =	shalt  }
0x44: {  	_ =	shalt  }
0x45: {  	_ =	shalt  }
0x46: {  	_ =	shalt  }
0x47: {  	_ =	shalt  }
0x48: {  	_ =	shalt  }
0x49: {  	_ =	shalt  }
0x4a: {  	_ =	shalt  }
0x4b: {  	_ =	shalt  }
0x4c: {  	_ =	shalt  }
0x4d: {  	_ =	shalt  }
0x4e: {  	_ =	shalt  }
0x4f: {  	_ =	shalt  }
0x50: {  	_ =	shalt  }
0x51: {  	_ =	shalt  }
0x52: {  	_ =	shalt  }
0x53: {  	_ =	shalt  }
0x54: {  	_ =	shalt  }
0x55: {  	_ =	shalt  }
0x56: {  	_ =	shalt  }
0x57: {  	_ =	shalt  }
0x58: {  	_ =	shalt  }
0x59: {  	_ =	shalt  }
0x5a: {  	_ =	shalt  }
0x5b: {  	_ =	shalt  }
0x5c: {  	_ =	shalt  }
0x5d: {  	_ =	shalt  }
0x5e: {  	_ =	shalt  }
0x5f: {  	_ =	shalt  }
0x60: {  	_ =	shalt  }
0x61: {  	_ =	shalt  }
0x62: {  	_ =	shalt  }
0x63: {  	_ =	shalt  }
0x64: {  	_ =	shalt  }
0x65: {  	_ =	shalt  }
0x66: {  	_ =	shalt  }
0x67: {  	_ =	shalt  }
0x68: {  	_ =	shalt  }
0x69: {  	_ =	shalt  }
0x6a: {  	_ =	shalt  }
0x6b: {  	_ =	shalt  }
0x6c: {  	_ =	shalt  }
0x6d: {  	_ =	shalt  }
0x6e: {  	_ =	shalt  }
0x6f: {  	_ =	shalt  }
0x70: {  	_ =	shalt  }
0x71: {  	_ =	shalt  }
0x72: {  	_ =	shalt  }
0x73: {  	_ =	shalt  }
0x74: {  	_ =	shalt  }
0x75: {  	_ =	shalt  }
0x76: {  	_ =	shalt  }
0x77: {  	_ =	shalt  }
0x78: {  	_ =	shalt  }
0x79: {  	_ =	shalt  }
0x7a: {  	_ =	shalt  }
0x7b: {  	_ =	shalt  }
0x7c: {  	_ =	shalt  }
0x7d: {  	_ =	shalt  }
0x7e: {  	_ =	shalt  }
0x7f: {  	_ =	shalt  }
0x80: {  	_ =	shalt  }
0x81: {  	_ =	shalt  }
0x82: {  	_ =	shalt  }
0x83: {  	_ =	shalt  }
0x84: {  	_ =	shalt  }
0x85: {  	_ =	shalt  }
0x86: {  	_ =	shalt  }
0x87: {  	_ =	shalt  }
.Lfunc_end0:
.L_simem_size_0:
called_computation_lowered:
.L_overlay_start_0:
0x88: {  	s2 =	sld [smem:$0x3FD9]  }
0x89: {  	s3 =	sld [smem:$0x3FFE];
	_ =	sdelay $0x1  }
0x8a: {  	s1 =	srdreg.scid  }
0x8b: {  	s0 =	sand.u32 $0x1, s1  }
0x8c: {  	s17 =	sshll.u32 s0, $0xA;
	s2 =	sadd.s32 s3, s2  }
0x8d: {  	s2 =	sadd.s32 s2, s17  }
0x8e: {  	[smem:$0x3FC6] =	sst s2  }
0x8f: {  	_ = 	snop  }
0x90: {  	s2 =	sld [smem:$0x3FC9]  }
0x91: {  	s18 =	sld [smem:$0x3FC8];
	(tm) =	ssettm $0x1  }
0x92: {  	s4 =	sld [smem:$0x3FFB];
	_ =	sdelay $0x3  }
0x93: {  	_ =	strace s4  }
0x94: {  	s4 =	sld [smem:$0x3FFC];
	_ =	sdelay $0x3  }
0x95: {  	_ =	strace s4  }
0x96: {  	s4 =	sld [smem:$0x3FFD];
	_ =	sdelay $0x3  }
0x97: {  	_ =	strace s4  }
0x98: {  	_ =	strace $0x8FFFFFFF  }
0x99: {  	s19 =	sld [smem:$0x3FDB];
	_ =	sdelay $0x1  }
0x9a: {  	s5 =	simm.s32 $_scs_section_size  }
0x9b: {  	s6 =	simm.s32 $_size__tile_overlayer_lowered;
	s7 =	simm.s32 $_tile_overlayer_lowered  }
0x9c: {  	s22 =	simm.s32 $0x1BFF;
	s21 =	sshll.u32 s7, $0x1;
	s4 =	sadd.s32 s5, s19  }
0x9d: {  	s8 =	simm.s32 $0x0;
	s20 =	sshll.u32 s6, $0x1;
	s6 =	sadd.s32 s21, s4  }
0x9e: {  	[timem:s8], [sflag:s22] =	dma.local [hbm:s6], s20  }
0x9f: {  	_ =	swait.ge [sflag:s22], s20  }
0xa0: {  	s5 =	ssub.s32 $0x0, s20;
	[sflag:s22] =	ssyncset.done $0x0  }
0xa1: {  	[sflag:s22] =	ssyncadd.s32 s5;
	_ =	sdelay $0x1  }
0xa2: {  	s23 =	simm.s32 $0x1B8B  }
0xa3: {  	_ =	swait.ge [sflag:s23], $0x1  }
0xa4: {  	[sflag:s23] =	ssyncset.done $0x0  }
0xa5: {  	s25 =	simm.s32 $0x1B8E;
	s24 =	sld [smem:$0x3FFE];
	[sflag:s23] =	ssyncadd.s32 $0xFFFFFFFF  }
0xa6: {  	s26 =	simm.s32 $execute0_lowered;
	[smem:$0x3FD2] =	sst s25  }
0xa7: {  	s6 =	sshll.u32 s26, $0x1;
	_ =	strace $0x80000046;
	[dreg:$0x1] =	wrdreg $0xFFFFFFFF  }
0xa8: {  	s28 =	simm.s32 $_size_execute0_lowered;
	s4 =	sadd.s32 s4, s6;
	[dreg:$0x0] =	wrdreg $0x0  }
0xa9: {  	s6 =	sshll.u32 s28, $0x1;
	[dreg:$0x2] =	wrdreg s4  }
0xaa: {  	[dreg:$0x3] =	wrdreg s6  }
0xab: {  	[dreg:$0x4] =	wrdreg $0xC0  }
0xac: {  	_ =	task [dreg:s8], $0x5FFFF  }
0xad: {  	[dreg:$0x1] =	wrdreg $0xFFFFFFFF  }
0xae: {  	[dreg:$0x0] =	wrdreg $0x60  }
0xaf: {  	[dreg:$0x2] =	wrdreg s18  }
0xb0: {  	[dreg:$0x3] =	wrdreg s2  }
0xb1: {  	[dreg:$0x4] =	wrdreg s24  }
0xb2: {  	[dreg:$0x5] =	wrdreg $0x9  }
0xb3: {  	_ =	task.clear_ibuf [dreg:s8], $0x6FFFF;
	_ =	strace $0x90000046  }
0xb4: {  	s29 =	simm.s32 $0x9;
	_ =	strace $0x80000048  }
0xb5: {  	_ =	swait.ge [sflag:s29], $0x1  }
0xb6: {  	[sflag:s29] =	ssyncadd.s32 $0xFFFFFFFF  }
0xb7: {  	_ =	strace $0x90000048  }
0xb8: {  	_ =	sfence  }
0xb9: {  	s30 =	sld [smem:$0x0];
	_ =	sdelay $0x2  }
0xba: {  	s31 =	sshll.u32 s1, $0xD;
	s1 =	sshrl.u32 s1, $0x2  }
0xbb: {  	s3 =	sand.u32 $0x4000, s31;
	s1 =	sadd.s32 s1, s30  }
0xbc: {  	s0 =	sor.u32 s3, s0;
	s1 =	sshll.u32 s1, $0x11  }
0xbd: {  	s0 =	sor.u32 s1, s0  }
0xbe: {  	s0 =	sadd.s32 $0x8F2B, s0  }
0xbf: {  	[sflag:s0] =	ssyncadd.remote.s32 $0x1  }
0xc0: {  	_ =	sfence.sel $0xFFFF  }
0xc1: {  	[dreg:$0x0] =	wrdreg $0xFFFFFFFF;
	(pc) =	sbr.abs _section_cstart, $3  }
0xc2: {  	[dreg:$0x1] =	wrdreg $0xFFFFFFFF  }
0xc3: {  	_ =	task.clear_ibuf [dreg:s8], $0x2FFFF;
	_ =	strace $0x9FFFFFFF  }
0xc4: {  	(tm) =	ssettm $0x7FFFFFFF  }
0xc5: {  	_ =	shalt  }
tec
execute0_lowered:
.L_overlay_start_1:
0x0: {  	(tag) =	ssettag $0x1  }
0x1: {  	s3 =	srdreg.scid;
	s0 =	stileid.u32  }
0x2: {  	s5 =	sand.u32 $0x1, s3;
	s4 =	sshll.u32 s0, $0x1  }
0x3: {  	s4 =	sor.u32 s5, s4  }
0x4: {  	p0 =	sgt.u32 s4, $0x18  }
.Ltmp0:
0x5: {  	_ = 	snop;
	(pc) =	sbr.rel @p0 .LBB2_3-.Ltmp0, $4  }
0x6: {  	s1 =	rddreg [dreg:$0x0]  }
0x7: {  	s2 =	rddreg [dreg:$0x1];
	s0 =	simm.s32 $0x0  }
0x8: {  	[smem:$0x7FF] =	sst s0  }
0x9: {  	s6 =	rddreg [dreg:$0x2];
	_ =	strace $0x80000047  }
0xa: {  	s7 =	sshll.u32 s4, $0x7  }
0xb: {  	s5 =	ssub.s32 $0x2, s5;
	s2 =	sadd.s32 s2, s4;
	s8 =	simm.s32 $0x7A1400  }
0xc: {  	s9 =	simm.s32 $0x80;
	s10 =	simm.s32 $0x2080;
	s11 =	simm.s32 $0x4080  }
0xd: {  	s12 =	simm.s32 $0x6080;
	s13 =	simm.s32 $0x8080;
	s14 =	simm.s32 $0xA080  }
0xe: {  	s15 =	simm.s32 $0xC080;
	s16 =	simm.s32 $0xE080;
	s17 =	simm.s32 $0x2  }
0xf: {  	s18 =	simm.s32 $0x3;
	s19 =	simm.s32 $0x4;
	s20 =	simm.s32 $0x5  }
0x10: {  	s21 =	simm.s32 $0x6;
	s31 =	simm.s32 $0x10080;
	s22 =	simm.s32 $0x7  }
0x11: {  	v0 =	vlaneseq.u32;
	s23 =	simm.s32 $0x8;
	s6 =	sadd.s32 s7, s6;
	[dreg:$0x5] =	wrdreg s2  }
0x12: {  	s30 =	sshrl.u32 s5, $0x1;
	v0 =	vmul.u32 $0x80, v0;
	[dreg:$0x6] =	wrdreg s31;
	s6 =	sadd.s32 $0x400, s6  }
0x13: {  	s7 =	simm.s32 $0x400;
	s5 =	ssub.s32 s5, s30;
	[dreg:$0x4] =	wrdreg s6  }
0x14: {  	s4 =	smax.u32 s5, $0x1;
	s5 =	simm.s32 $0x9;
	v1 =	vor.u32 $0x800, v0;
	v2 =	vor.u32 $0x1000, v0;
	v3 =	vor.u32 $0x1800, v0;
	s6 =	simm.s32 $0x0  }
.LBB2_2:
0x15: {  	s2 =	rddreg [dreg:$0x5]  }
0x16: {  	[tilespmem:s0], [sflag:$0x9] =	stream.linear.gather [hbm4b:s2+s0], $0x8, $0x38;
	[tilespmem:$0x10480] =	vst v63  }
0x17: {  	_ =	swait.ge [sflag:s5], $0x8  }
0x18: {  	[sflag:s5] =	ssyncset.done $0x0  }
0x19: {  	[sflag:s5] =	ssyncadd.s32 $0xFFFFFFF8  }
0x1a: {  	v4 =	vld [tilespmem:$0x0];
	_ =	sdelay $0x4  }
0x1b: {  	(v2sf) =	vpush v4, $0x0;
	_ =	sdelay $0xa  }
0x1c: {  	(v2sf) =	vpush v4, $0x1;
	_ =	sdelay $0x3  }
0x1d: {  	s24 =	spop (v2sf)  }
0x1e: {  	s25 =	sshra.s32 s24, $0x1F  }
0x1f: {  	s2 =	sshrl.u32 s25, $0x19  }
0x20: {  	s2 =	sadd.s32 s2, s24  }
0x21: {  	s25 =	sand.u32 $0xFFFFFF80, s2  }
0x22: {  	p0 =	slt.s32 s24, $0x1;
	p1 =	sne.s32 s24, s25  }
0x23: {  	p0 =	por !p0, !p1  }
0x24: {  	s25 =	simm.s32 $0x1;
	p0 =	por !p0, !p0  }
0x25: {  	(v2sf) =	vpush v4, $0x2;
	s2 =	sshrl.u32 s2, $0x7;
	s25 =	simm.s32 @!p0 $0x0  }
0x26: {  	s2 =	ssub.s32 s2, s25  }
0x27: {  	s2 =	sshll.u32 s2, $0x7  }
0x28: {  	s25 =	spop (v2sf);
	s2 =	sand.u32 $0x1FFFFF80, s2  }
0x29: {  	s26 =	sshra.s32 s25, $0x1F;
	s2 =	sadd.s32 s1, s2  }
0x2a: {  	[tilespmem:s9], [sflag:$0x1] =	stream.strided.gather [hbm4b:s2+s7], $0x2000, s8, s7, $0x38;
	[tilespmem:$0x10480] =	vst v63  }
0x2b: {  	s2 =	sshrl.u32 s26, $0x19  }
0x2c: {  	s2 =	sadd.s32 s2, s25  }
0x2d: {  	s26 =	sand.u32 $0xFFFFFF80, s2  }
0x2e: {  	p5 =	slt.s32 s25, $0x1;
	p6 =	sne.s32 s25, s26  }
0x2f: {  	p0 =	por !p5, !p6  }
0x30: {  	s26 =	simm.s32 $0x1;
	p0 =	por !p0, !p0  }
0x31: {  	(v2sf) =	vpush v4, $0x3;
	s2 =	sshrl.u32 s2, $0x7;
	s26 =	simm.s32 @!p0 $0x0  }
0x32: {  	s2 =	ssub.s32 s2, s26  }
0x33: {  	s2 =	sshll.u32 s2, $0x7  }
0x34: {  	s26 =	spop (v2sf);
	s2 =	sand.u32 $0x1FFFFF80, s2  }
0x35: {  	s28 =	sshra.s32 s26, $0x1F;
	s2 =	sadd.s32 s1, s2  }
0x36: {  	[tilespmem:s10], [sflag:$0x2] =	stream.strided.gather [hbm4b:s2+s7], $0x2000, s8, s7, $0x38;
	[tilespmem:$0x10480] =	vst v63  }
0x37: {  	s2 =	sshrl.u32 s28, $0x19  }
0x38: {  	s2 =	sadd.s32 s2, s26  }
0x39: {  	s28 =	sand.u32 $0xFFFFFF80, s2  }
0x3a: {  	p1 =	slt.s32 s26, $0x1;
	p2 =	sne.s32 s26, s28  }
0x3b: {  	p0 =	por !p1, !p2  }
0x3c: {  	s28 =	simm.s32 $0x1;
	p0 =	por !p0, !p0  }
0x3d: {  	(v2sf) =	vpush v4, $0x4;
	s2 =	sshrl.u32 s2, $0x7;
	s28 =	simm.s32 @!p0 $0x0  }
0x3e: {  	s2 =	ssub.s32 s2, s28  }
0x3f: {  	s2 =	sshll.u32 s2, $0x7  }
0x40: {  	s28 =	spop (v2sf);
	s2 =	sand.u32 $0x1FFFFF80, s2  }
0x41: {  	s29 =	sshra.s32 s28, $0x1F;
	s2 =	sadd.s32 s1, s2  }
0x42: {  	[tilespmem:s11], [sflag:$0x3] =	stream.strided.gather [hbm4b:s2+s7], $0x2000, s8, s7, $0x38;
	[tilespmem:$0x10480] =	vst v63  }
0x43: {  	s2 =	sshrl.u32 s29, $0x19  }
0x44: {  	s2 =	sadd.s32 s2, s28  }
0x45: {  	s29 =	sand.u32 $0xFFFFFF80, s2  }
0x46: {  	p3 =	slt.s32 s28, $0x1;
	p4 =	sne.s32 s28, s29  }
0x47: {  	p0 =	por !p3, !p4  }
0x48: {  	s29 =	simm.s32 $0x1;
	p0 =	por !p0, !p0  }
0x49: {  	(v2sf) =	vpush v4, $0x5;
	s2 =	sshrl.u32 s2, $0x7;
	s29 =	simm.s32 @!p0 $0x0  }
0x4a: {  	s2 =	ssub.s32 s2, s29  }
0x4b: {  	s2 =	sshll.u32 s2, $0x7  }
0x4c: {  	s29 =	spop (v2sf);
	s2 =	sand.u32 $0x1FFFFF80, s2  }
0x4d: {  	s30 =	sshra.s32 s29, $0x1F;
	s2 =	sadd.s32 s1, s2  }
0x4e: {  	[tilespmem:s12], [sflag:$0x4] =	stream.strided.gather [hbm4b:s2+s7], $0x2000, s8, s7, $0x38;
	[tilespmem:$0x10480] =	vst v63  }
0x4f: {  	s2 =	sshrl.u32 s30, $0x19  }
0x50: {  	s2 =	sadd.s32 s2, s29  }
0x51: {  	s30 =	sand.u32 $0xFFFFFF80, s2  }
0x52: {  	p5 =	slt.s32 s29, $0x1;
	p6 =	sne.s32 s29, s30  }
0x53: {  	p0 =	por !p5, !p6  }
0x54: {  	s30 =	simm.s32 $0x1;
	p0 =	por !p0, !p0  }
0x55: {  	(v2sf) =	vpush v4, $0x6;
	s2 =	sshrl.u32 s2, $0x7;
	s30 =	simm.s32 @!p0 $0x0  }
0x56: {  	s2 =	ssub.s32 s2, s30  }
0x57: {  	s2 =	sshll.u32 s2, $0x7  }
0x58: {  	s30 =	spop (v2sf);
	s2 =	sand.u32 $0x1FFFFF80, s2  }
0x59: {  	s31 =	sshra.s32 s30, $0x1F;
	s2 =	sadd.s32 s1, s2  }
0x5a: {  	[tilespmem:s13], [sflag:$0x5] =	stream.strided.gather [hbm4b:s2+s7], $0x2000, s8, s7, $0x38;
	[tilespmem:$0x10480] =	vst v63  }
0x5b: {  	s2 =	sshrl.u32 s31, $0x19  }
0x5c: {  	s2 =	sadd.s32 s2, s30  }
0x5d: {  	s31 =	sand.u32 $0xFFFFFF80, s2  }
0x5e: {  	p1 =	slt.s32 s30, $0x1;
	p2 =	sne.s32 s30, s31  }
0x5f: {  	p0 =	por !p1, !p2  }
0x60: {  	s31 =	simm.s32 $0x1;
	p0 =	por !p0, !p0  }
0x61: {  	s2 =	sshrl.u32 s2, $0x7;
	s31 =	simm.s32 @!p0 $0x0  }
0x62: {  	s2 =	ssub.s32 s2, s31  }
0x63: {  	s2 =	sshll.u32 s2, $0x7  }
0x64: {  	s31 =	spop (v2sf);
	(v2sf) =	vpush v4, $0x7;
	s2 =	sand.u32 $0x1FFFFF80, s2  }
0x65: {  	s0 =	sshra.s32 s31, $0x1F;
	s2 =	sadd.s32 s1, s2  }
0x66: {  	[tilespmem:s14], [sflag:$0x6] =	stream.strided.gather [hbm4b:s2+s7], $0x2000, s8, s7, $0x38;
	[tilespmem:$0x10480] =	vst v63  }
0x67: {  	s2 =	sshrl.u32 s0, $0x19  }
0x68: {  	s2 =	sadd.s32 s2, s31  }
0x69: {  	s3 =	sand.u32 $0xFFFFFF80, s2  }
0x6a: {  	p3 =	slt.s32 s31, $0x1;
	p4 =	sne.s32 s31, s3  }
0x6b: {  	p0 =	por !p3, !p4  }
0x6c: {  	s0 =	simm.s32 $0x1;
	p0 =	por !p0, !p0  }
0x6d: {  	s2 =	sshrl.u32 s2, $0x7;
	s0 =	simm.s32 @!p0 $0x0  }
0x6e: {  	s0 =	ssub.s32 s2, s0  }
0x6f: {  	s0 =	sshll.u32 s0, $0x7  }
0x70: {  	s0 =	sand.u32 $0x1FFFFF80, s0  }
0x71: {  	s0 =	sadd.s32 s1, s0  }
0x72: {  	[tilespmem:s15], [sflag:$0x7] =	stream.strided.gather [hbm4b:s0+s7], $0x2000, s8, s7, $0x38;
	[tilespmem:$0x10480] =	vst v63  }
0x73: {  	s2 =	spop (v2sf)  }
0x74: {  	s3 =	sshra.s32 s2, $0x1F  }
0x75: {  	s0 =	sshrl.u32 s3, $0x19  }
0x76: {  	s0 =	sadd.s32 s0, s2  }
0x77: {  	s3 =	sand.u32 $0xFFFFFF80, s0  }
0x78: {  	p5 =	slt.s32 s2, $0x1;
	p6 =	sne.s32 s2, s3  }
0x79: {  	p0 =	por !p5, !p6  }
0x7a: {  	s3 =	simm.s32 $0x1;
	p0 =	por !p0, !p0  }
0x7b: {  	s0 =	sshrl.u32 s0, $0x7;
	s3 =	simm.s32 @!p0 $0x0  }
0x7c: {  	s0 =	ssub.s32 s0, s3  }
0x7d: {  	s0 =	sshll.u32 s0, $0x7  }
0x7e: {  	s3 =	sand.u32 $0x7F, s24;
	s0 =	sand.u32 $0x1FFFFF80, s0  }
0x7f: {  	s24 =	simm.s32 $0x1;
	v4 =	vor.u32 s3, v0;
	s0 =	sadd.s32 s1, s0  }
0x80: {  	[tilespmem:s16], [sflag:$0x8] =	stream.strided.gather [hbm4b:s0+s7], $0x2000, s8, s7, $0x38;
	[tilespmem:$0x10480] =	vst v63  }
0x81: {  	_ =	swait.ge [sflag:s24], $0x2000  }
0x82: {  	[sflag:s24] =	ssyncset.done $0x0  }
0x83: {  	[sflag:s24] =	ssyncadd.s32 $0xFFFFE000  }
0x84: {  	v4 =	vld.idx.msk [tilespmem:v4+s9+$0x0], $0xffff  }
0x85: {  	v5 =	vor.u32 s3, v1;
	_ =	sdelay $0x3  }
0x86: {  	[tilespmem:$0x10080] =	vst v4  }
0x87: {  	v4 =	vld.idx.msk [tilespmem:v5+s9+$0x0], $0xffff  }
0x88: {  	v5 =	vor.u32 s3, v2;
	_ =	sdelay $0x3  }
0x89: {  	[tilespmem:$0x10090] =	vst v4  }
0x8a: {  	v4 =	vld.idx.msk [tilespmem:v5+s9+$0x0], $0xffff  }
0x8b: {  	v5 =	vor.u32 s3, v3;
	_ =	sdelay $0x3  }
0x8c: {  	[tilespmem:$0x100A0] =	vst v4  }
0x8d: {  	v4 =	vld.idx.msk [tilespmem:v5+s9+$0x0], $0xffff;
	_ =	sdelay $0x2  }
0x8e: {  	s25 =	sand.u32 $0x7F, s25  }
0x8f: {  	v5 =	vor.u32 s25, v0  }
0x90: {  	[tilespmem:$0x100B0] =	vst v4  }
0x91: {  	_ =	swait.ge [sflag:s17], $0x2000  }
0x92: {  	[sflag:s17] =	ssyncset.done $0x0  }
0x93: {  	[sflag:s17] =	ssyncadd.s32 $0xFFFFE000  }
0x94: {  	v4 =	vld.idx.msk [tilespmem:v5+s10+$0x0], $0xffff  }
0x95: {  	v5 =	vor.u32 s25, v1;
	_ =	sdelay $0x3  }
0x96: {  	[tilespmem:$0x10100] =	vst v4  }
0x97: {  	v4 =	vld.idx.msk [tilespmem:v5+s10+$0x0], $0xffff  }
0x98: {  	v5 =	vor.u32 s25, v2;
	_ =	sdelay $0x3  }
0x99: {  	[tilespmem:$0x10110] =	vst v4  }
0x9a: {  	v4 =	vld.idx.msk [tilespmem:v5+s10+$0x0], $0xffff  }
0x9b: {  	v5 =	vor.u32 s25, v3;
	_ =	sdelay $0x3  }
0x9c: {  	[tilespmem:$0x10120] =	vst v4  }
0x9d: {  	v4 =	vld.idx.msk [tilespmem:v5+s10+$0x0], $0xffff;
	_ =	sdelay $0x2  }
0x9e: {  	s3 =	sand.u32 $0x7F, s26  }
0x9f: {  	v5 =	vor.u32 s3, v0  }
0xa0: {  	[tilespmem:$0x10130] =	vst v4  }
0xa1: {  	_ =	swait.ge [sflag:s18], $0x2000  }
0xa2: {  	[sflag:s18] =	ssyncset.done $0x0  }
0xa3: {  	[sflag:s18] =	ssyncadd.s32 $0xFFFFE000  }
0xa4: {  	v4 =	vld.idx.msk [tilespmem:v5+s11+$0x0], $0xffff  }
0xa5: {  	v5 =	vor.u32 s3, v1;
	_ =	sdelay $0x3  }
0xa6: {  	[tilespmem:$0x10180] =	vst v4  }
0xa7: {  	v4 =	vld.idx.msk [tilespmem:v5+s11+$0x0], $0xffff  }
0xa8: {  	v5 =	vor.u32 s3, v2;
	_ =	sdelay $0x3  }
0xa9: {  	[tilespmem:$0x10190] =	vst v4  }
0xaa: {  	v4 =	vld.idx.msk [tilespmem:v5+s11+$0x0], $0xffff  }
0xab: {  	v5 =	vor.u32 s3, v3;
	_ =	sdelay $0x3  }
0xac: {  	[tilespmem:$0x101A0] =	vst v4  }
0xad: {  	v4 =	vld.idx.msk [tilespmem:v5+s11+$0x0], $0xffff;
	_ =	sdelay $0x2  }
0xae: {  	s24 =	sand.u32 $0x7F, s28  }
0xaf: {  	v5 =	vor.u32 s24, v0  }
0xb0: {  	[tilespmem:$0x101B0] =	vst v4  }
0xb1: {  	_ =	swait.ge [sflag:s19], $0x2000  }
0xb2: {  	[sflag:s19] =	ssyncset.done $0x0  }
0xb3: {  	[sflag:s19] =	ssyncadd.s32 $0xFFFFE000  }
0xb4: {  	v4 =	vld.idx.msk [tilespmem:v5+s12+$0x0], $0xffff  }
0xb5: {  	v5 =	vor.u32 s24, v1;
	_ =	sdelay $0x3  }
0xb6: {  	[tilespmem:$0x10200] =	vst v4  }
0xb7: {  	v4 =	vld.idx.msk [tilespmem:v5+s12+$0x0], $0xffff  }
0xb8: {  	v5 =	vor.u32 s24, v2;
	_ =	sdelay $0x3  }
0xb9: {  	[tilespmem:$0x10210] =	vst v4  }
0xba: {  	v4 =	vld.idx.msk [tilespmem:v5+s12+$0x0], $0xffff  }
0xbb: {  	v5 =	vor.u32 s24, v3;
	_ =	sdelay $0x3  }
0xbc: {  	[tilespmem:$0x10220] =	vst v4  }
0xbd: {  	v4 =	vld.idx.msk [tilespmem:v5+s12+$0x0], $0xffff;
	_ =	sdelay $0x2  }
0xbe: {  	s25 =	sand.u32 $0x7F, s29  }
0xbf: {  	v5 =	vor.u32 s25, v0  }
0xc0: {  	[tilespmem:$0x10230] =	vst v4  }
0xc1: {  	_ =	swait.ge [sflag:s20], $0x2000  }
0xc2: {  	[sflag:s20] =	ssyncset.done $0x0  }
0xc3: {  	[sflag:s20] =	ssyncadd.s32 $0xFFFFE000  }
0xc4: {  	v4 =	vld.idx.msk [tilespmem:v5+s13+$0x0], $0xffff  }
0xc5: {  	v5 =	vor.u32 s25, v1;
	_ =	sdelay $0x3  }
0xc6: {  	[tilespmem:$0x10280] =	vst v4  }
0xc7: {  	v4 =	vld.idx.msk [tilespmem:v5+s13+$0x0], $0xffff  }
0xc8: {  	v5 =	vor.u32 s25, v2;
	_ =	sdelay $0x3  }
0xc9: {  	[tilespmem:$0x10290] =	vst v4  }
0xca: {  	v4 =	vld.idx.msk [tilespmem:v5+s13+$0x0], $0xffff  }
0xcb: {  	v5 =	vor.u32 s25, v3;
	_ =	sdelay $0x3  }
0xcc: {  	[tilespmem:$0x102A0] =	vst v4  }
0xcd: {  	v4 =	vld.idx.msk [tilespmem:v5+s13+$0x0], $0xffff;
	_ =	sdelay $0x2  }
0xce: {  	s26 =	sand.u32 $0x7F, s30  }
0xcf: {  	v5 =	vor.u32 s26, v0  }
0xd0: {  	[tilespmem:$0x102B0] =	vst v4  }
0xd1: {  	_ =	swait.ge [sflag:s21], $0x2000  }
0xd2: {  	[sflag:s21] =	ssyncset.done $0x0  }
0xd3: {  	[sflag:s21] =	ssyncadd.s32 $0xFFFFE000  }
0xd4: {  	v4 =	vld.idx.msk [tilespmem:v5+s14+$0x0], $0xffff  }
0xd5: {  	v5 =	vor.u32 s26, v1;
	_ =	sdelay $0x3  }
0xd6: {  	[tilespmem:$0x10300] =	vst v4  }
0xd7: {  	v4 =	vld.idx.msk [tilespmem:v5+s14+$0x0], $0xffff  }
0xd8: {  	v5 =	vor.u32 s26, v2;
	_ =	sdelay $0x3  }
0xd9: {  	[tilespmem:$0x10310] =	vst v4  }
0xda: {  	v4 =	vld.idx.msk [tilespmem:v5+s14+$0x0], $0xffff  }
0xdb: {  	v5 =	vor.u32 s26, v3;
	_ =	sdelay $0x3  }
0xdc: {  	[tilespmem:$0x10320] =	vst v4  }
0xdd: {  	v4 =	vld.idx.msk [tilespmem:v5+s14+$0x0], $0xffff;
	_ =	sdelay $0x2  }
0xde: {  	s28 =	sand.u32 $0x7F, s31  }
0xdf: {  	v5 =	vor.u32 s28, v0  }
0xe0: {  	[tilespmem:$0x10330] =	vst v4  }
0xe1: {  	_ =	swait.ge [sflag:s22], $0x2000  }
0xe2: {  	[sflag:s22] =	ssyncset.done $0x0  }
0xe3: {  	[sflag:s22] =	ssyncadd.s32 $0xFFFFE000  }
0xe4: {  	v4 =	vld.idx.msk [tilespmem:v5+s15+$0x0], $0xffff  }
0xe5: {  	v5 =	vor.u32 s28, v1;
	_ =	sdelay $0x3  }
0xe6: {  	[tilespmem:$0x10380] =	vst v4  }
0xe7: {  	v4 =	vld.idx.msk [tilespmem:v5+s15+$0x0], $0xffff  }
0xe8: {  	v5 =	vor.u32 s28, v2;
	_ =	sdelay $0x3  }
0xe9: {  	[tilespmem:$0x10390] =	vst v4  }
0xea: {  	v4 =	vld.idx.msk [tilespmem:v5+s15+$0x0], $0xffff  }
0xeb: {  	v5 =	vor.u32 s28, v3;
	_ =	sdelay $0x3  }
0xec: {  	[tilespmem:$0x103A0] =	vst v4  }
0xed: {  	v4 =	vld.idx.msk [tilespmem:v5+s15+$0x0], $0xffff;
	_ =	sdelay $0x2  }
0xee: {  	s29 =	sand.u32 $0x7F, s2  }
0xef: {  	v5 =	vor.u32 s29, v0  }
0xf0: {  	[tilespmem:$0x103B0] =	vst v4  }
0xf1: {  	_ =	swait.ge [sflag:s23], $0x2000  }
0xf2: {  	[sflag:s23] =	ssyncset.done $0x0  }
0xf3: {  	[sflag:s23] =	ssyncadd.s32 $0xFFFFE000  }
0xf4: {  	v4 =	vld.idx.msk [tilespmem:v5+s16+$0x0], $0xffff  }
0xf5: {  	v5 =	vor.u32 s29, v1;
	_ =	sdelay $0x3  }
0xf6: {  	[tilespmem:$0x10400] =	vst v4  }
0xf7: {  	v4 =	vld.idx.msk [tilespmem:v5+s16+$0x0], $0xffff  }
0xf8: {  	v5 =	vor.u32 s29, v2;
	_ =	sdelay $0x3  }
0xf9: {  	[tilespmem:$0x10410] =	vst v4  }
0xfa: {  	v4 =	vld.idx.msk [tilespmem:v5+s16+$0x0], $0xffff  }
0xfb: {  	v5 =	vor.u32 s29, v3;
	_ =	sdelay $0x3  }
0xfc: {  	[tilespmem:$0x10420] =	vst v4  }
0xfd: {  	v4 =	vld.idx.msk [tilespmem:v5+s16+$0x0], $0xffff;
	_ =	sdelay $0x3  }
0xfe: {  	p0 =	sne.s32 s4, $0x1;
	s30 =	rddreg [dreg:$0x4]  }
.Ltmp1:
0xff: {  	s31 =	rddreg [dreg:$0x6];
	[tilespmem:$0x10430] =	vst v4;
	(pc) =	sbr.rel @p0 .LBB2_2-.Ltmp1, $4  }
0x100: {  	[hbm4b:s30+s6] =	stream.linear.scatter [tilespmem:s31], [sflag:$0x9], $0x400, $0x38;
	[tilespmem:$0x10480] =	vst v63  }
0x101: {  	_ =	swait.ge [sflag:s5], $0x400  }
0x102: {  	[sflag:s5] =	ssyncset.done $0x0  }
0x103: {  	s4 =	sadd.s32 $0xFFFFFFFF, s4;
	s0 =	simm.s32 $0x0;
	[sflag:s5] =	ssyncadd.s32 $0xFFFFFC00  }
.LBB2_3:
0x104: {  	_ =	sfence.sel $0x180000  }
0x105: {  	[bflag:$0x0] =	sbarrier.arrive $0xFFFF  }
0x106: {  	_ =	strace $0x90000047  }
0x107: {  	s0 =	stileid.u32;
	[bflag:$0x2] =	sbarrier.arrive $0xFFFF  }
0x108: {  	p0 =	sne.s32 s0, $0x0;
	s0 =	rddreg [dreg:$0x3]  }
0x109: {  	s0 =	sadd.s32 @!p0 $0x100000, s0  }
0x10a: {  	[sflag:s0] =	ssyncadd.tile.s32 @!p0 $0x1;
	_ =	shalt  }
.Lfunc_end2:
_tile_overlayer_lowered:
.L_overlay_start_2:
0x10b: {  	(tag) =	ssettag $0x2  }
0x10c: {  	s0 =	rddreg [dreg:$0x0];
	s2 =	stileid.u32  }
0x10d: {  	s1 =	rddreg [dreg:$0x1];
	p0 =	sne.s32 s2, $0x0  }
0x10e: {  	s3 =	rddreg [dreg:$0x2];
	[bflag:$0x3] =	sbarrier.arrive $0xFFFF;
	s2 =	simm.s32 @!p0 $0x1C09  }
0x10f: {  	[timem:s3], [sflag:s2] =	dma.local @!p0 [hbm:s0], s1  }
0x110: {  	s0 =	simm.s32 @!p0 $0x9  }
0x111: {  	_ =	swait.ge @!p0 [sflag:s0], s1  }
0x112: {  	s1 =	ssub.s32 @!p0 $0x0, s1;
	[sflag:s0] =	ssyncset.done @!p0 $0x0  }
0x113: {  	[sflag:s0] =	ssyncadd.s32 @!p0 s1  }
0x114: {  	[bflag:$0x3] =	sbarrier.arrive $0xFFFF  }
0x115: {  	_ =	shalt  }

</sc_bundles>
